<compile_context>
chip_gen: v7x
topology: tpu7x:2x2x1
jax: 0.10.2.dev20260603
libtpu: 0.0.44.dev20260713+nightly
codegen_flags: <defaults>
</compile_context>

<pallas_src>
import functools

import jax
import jax.numpy as jnp
from jax import lax
from jax.experimental import pallas as pl
from jax.experimental.pallas import tpu as pltpu
from jax.experimental.pallas import tpu_sc as plsc

_NC = 2
_NS = 16
_NW = _NC * _NS
_CHUNK = 128
_RING = 3
_L = 16


def _sc_gather_scale(table, idx, scale):
    (B,) = idx.shape
    V, D = table.shape
    assert B % (_NW * _CHUNK) == 0 and D % _L == 0
    b_per_w = B // _NW
    n_chunk = b_per_w // _CHUNK
    scale = float(scale)
    mesh = plsc.VectorSubcoreMesh(core_axis_name="c", subcore_axis_name="s")

    @functools.partial(
        pl.kernel,
        mesh=mesh,
        out_type=jax.ShapeDtypeStruct((B, D), table.dtype),
        scratch_types=[
            pltpu.VMEM((b_per_w,), jnp.int32),
            pltpu.VMEM((_RING, _CHUNK, D), table.dtype),
            pltpu.VMEM((_RING, _CHUNK, D), table.dtype),
            pltpu.SemaphoreType.DMA,
            pltpu.SemaphoreType.DMA,
            pltpu.SemaphoreType.DMA,
            pltpu.SemaphoreType.DMA,
            pltpu.SemaphoreType.DMA,
            pltpu.SemaphoreType.DMA,
        ],
    )
    def k(table_hbm, idx_hbm, out_hbm, idx_v, gbuf, sbuf,
          gs0, gs1, gs2, ss0, ss1, ss2):
        gsems = (gs0, gs1, gs2)
        ssems = (ss0, ss1, ss2)
        wid = lax.axis_index("s") * _NC + lax.axis_index("c")
        base = wid * b_per_w
        pltpu.sync_copy(idx_hbm.at[pl.ds(base, b_per_w)], idx_v)

        def gather(i, b):
            pltpu.async_copy(
                table_hbm.at[idx_v.at[pl.ds(i * _CHUNK, _CHUNK)]],
                gbuf.at[b], gsems[b])

        def drain(ref, sem):
            pltpu.make_async_copy(
                table_hbm.at[idx_v.at[pl.ds(0, _CHUNK)]], ref, sem).wait()

        for b in range(_RING):
            gather(b, b)

        n_iter = -(-n_chunk // _RING) * _RING

        @pl.loop(0, n_iter, step=_RING)
        def _(g):
            for b in range(_RING):
                i = g + b

                @pl.when(i < n_chunk)
                def _():
                    drain(gbuf.at[b], gsems[b])

                    @pl.when(i >= _RING)
                    def _():
                        drain(sbuf.at[b], ssems[b])

                    @plsc.parallel_loop(0, _CHUNK, unroll=4)
                    def _(r):
                        for j in range(D // _L):
                            sl = pl.ds(j * _L, _L)
                            sbuf[b, r, sl] = gbuf[b, r, sl] * scale

                    @pl.when(i + _RING < n_chunk)
                    def _():
                        gather(i + _RING, b)
                    pltpu.async_copy(
                        sbuf.at[b],
                        out_hbm.at[pl.ds(base + i * _CHUNK, _CHUNK)],
                        ssems[b])

        for b in range(_RING):
            drain(sbuf.at[b], ssems[b])

    return k(table, idx)


def kernel(inp, W):
    B0, S = inp.shape
    V, D = W.shape
    idx = inp.reshape(B0 * S).astype(jnp.int32)
    out = _sc_gather_scale(W, idx, float(D) ** 0.5)
    return out.reshape(B0, S, D)

# --- scband reference (transcript-rebuilt; emitter-appended) ---
"""Pipeline reference for scband-adaptive-embedding-20624432955696 (READ-ONLY COPY).

The authoritative reference and input builder live on the scoring server;
editing this copy changes nothing except your own understanding.
"""

import jax, jax.numpy as jnp
import numpy as np

N_TOKEN = 100000
D_EMBED = 128
D_PROJ = 128
EMB_SCALE = float(D_PROJ) ** 0.5


def setup_inputs(seed: int = 0) -> dict:
    key = jax.random.key(seed)
    k_inp, k_w = jax.random.split(key)
    inp = jax.random.randint(k_inp, (1024, 200), 0, N_TOKEN, dtype=jnp.int64)
    # nn.Embedding default init: N(0, 1)
    W = jax.random.normal(k_w, (N_TOKEN, D_EMBED), dtype=jnp.float32)
    return {"inp": inp, "W": W}


def reference(inp, W):
    # embed = self.emb_layers[0](inp); embed.mul_(self.emb_scale)
    embed = jnp.take(W, inp, axis=0)
    embed = embed * EMB_SCALE
    return embed

if __name__ == "__main__":
    import jax
    _d = setup_inputs()
    print(jax.jit(kernel)(*tuple(_d.values())))

</pallas_src>

<mosaic_0001>
#map = affine_map<(d0, d1) -> (0, 0)>
#map1 = affine_map<(d0, d1) -> (0)>
module attributes {stable_mosaic.version = 14 : i64} {
  func.func @k(%arg0: i32, %arg1: i32, %arg2: memref<100000x128xf32, #tpu.memory_space<hbm>>, %arg3: memref<204800xi32, #tpu.memory_space<hbm>>, %arg4: memref<204800x128xf32, #tpu.memory_space<hbm>>, %arg5: memref<6400xi32, #tpu.memory_space<vmem>>, %arg6: memref<3x128x128xf32, #tpu.memory_space<vmem>>, %arg7: memref<3x128x128xf32, #tpu.memory_space<vmem>>, %arg8: memref<!tpu.dma_semaphore, #tpu.memory_space<semaphore_mem>>, %arg9: memref<!tpu.dma_semaphore, #tpu.memory_space<semaphore_mem>>, %arg10: memref<!tpu.dma_semaphore, #tpu.memory_space<semaphore_mem>>, %arg11: memref<!tpu.dma_semaphore, #tpu.memory_space<semaphore_mem>>, %arg12: memref<!tpu.dma_semaphore, #tpu.memory_space<semaphore_mem>>, %arg13: memref<!tpu.dma_semaphore, #tpu.memory_space<semaphore_mem>>) attributes {dimension_semantics = [#tpu.dimension_semantics<core_parallel>, #tpu.dimension_semantics<subcore_parallel>], iteration_bounds = array<i64: 2, 16>, scalar_prefetch = 0 : i64, scratch_operands = 9 : i64, tpu.core_type = #tpu.core_type<sc_vector_subcore>, window_params = [{transform_indices = #map}, {transform_indices = #map1}, {transform_indices = #map}]} {
    %mul3A = arith.constant 2 : i32
    %mul3A_0 = arith.muli %arg1, %mul3A : i32
    %add3A = arith.addi %mul3A_0, %arg0 : i32
    %mul3A_1 = arith.constant 6400 : i32
    %mul3A_2 = arith.muli %add3A, %mul3A_1 : i32
    "tpu.region"() ({
      %run_scoped3A = tpu.sem_alloc : memref<!tpu.dma_semaphore, #tpu.memory_space<semaphore_mem>>
      %dma_start3A_65 = tpu.memref_slice %arg3[%mul3A_2] : memref<204800xi32, #tpu.memory_space<hbm>> -> memref<6400xi32, #tpu.memory_space<hbm>>
      %dma_start3A_66 = tpu.memref_slice %arg3[%mul3A_2] : memref<204800xi32, #tpu.memory_space<hbm>> -> memref<6400xi32, #tpu.memory_space<hbm>>
      tpu.enqueue_dma source(%dma_start3A_66 : memref<6400xi32, #tpu.memory_space<hbm>>) target(%arg5 : memref<6400xi32, #tpu.memory_space<vmem>>) target_semaphore(%run_scoped3A : memref<!tpu.dma_semaphore, #tpu.memory_space<semaphore_mem>>)
      %dma_wait3A_67 = tpu.memref_slice %arg3[%mul3A_2] : memref<204800xi32, #tpu.memory_space<hbm>> -> memref<6400xi32, #tpu.memory_space<hbm>>
      %dma_wait3A_68 = tpu.memref_slice %arg3[%mul3A_2] : memref<204800xi32, #tpu.memory_space<hbm>> -> memref<6400xi32, #tpu.memory_space<hbm>>
      tpu.wait_dma2 semaphore(%run_scoped3A : memref<!tpu.dma_semaphore, #tpu.memory_space<semaphore_mem>>) src(%dma_wait3A_68 : memref<6400xi32, #tpu.memory_space<hbm>>) dst(%arg5 : memref<6400xi32, #tpu.memory_space<vmem>>)
      tpu.yield
    }) : () -> ()
    %dma_start3A = arith.constant 0 : i32
    %dma_start3A_3 = arith.constant 0 : i32
    %dma_start3A_4 = arith.constant 0 : i32
    %dma_start3A_5 = tpu.memref_slice %arg6[%dma_start3A, %dma_start3A_3, %dma_start3A_4] : memref<3x128x128xf32, #tpu.memory_space<vmem>> -> memref<1x128x128xf32, #tpu.memory_space<vmem>>
    %dma_start3A_6 = tpu.memref_squeeze %dma_start3A_5 : memref<1x128x128xf32, #tpu.memory_space<vmem>> -> memref<128x128xf32, #tpu.memory_space<vmem>>
    %dma_start3A_7 = arith.constant 0 : i32
    %dma_start3A_8 = tpu.memref_slice %arg5[%dma_start3A_7] : memref<6400xi32, #tpu.memory_space<vmem>> -> memref<128xi32, #tpu.memory_space<vmem>>
    %dma_start3A_9 = arith.constant 0 : i32
    %dma_start3A_10 = arith.constant 0 : i32
    %dma_start3A_11 = tpu.memref_slice %arg2[%dma_start3A_9, %dma_start3A_10] : memref<100000x128xf32, #tpu.memory_space<hbm>> -> memref<100000x128xf32, #tpu.memory_space<hbm>>
    tpu.enqueue_indirect_dma source(%dma_start3A_11 : memref<100000x128xf32, #tpu.memory_space<hbm>>) target(%dma_start3A_6 : memref<128x128xf32, #tpu.memory_space<vmem>>) offsets(%dma_start3A_8 : memref<128xi32, #tpu.memory_space<vmem>>) semaphore(%arg8 : memref<!tpu.dma_semaphore, #tpu.memory_space<semaphore_mem>>)
    %dma_start3A_12 = arith.constant 1 : i32
    %dma_start3A_13 = arith.constant 0 : i32
    %dma_start3A_14 = arith.constant 0 : i32
    %dma_start3A_15 = tpu.memref_slice %arg6[%dma_start3A_12, %dma_start3A_13, %dma_start3A_14] : memref<3x128x128xf32, #tpu.memory_space<vmem>> -> memref<1x128x128xf32, #tpu.memory_space<vmem>>
    %dma_start3A_16 = tpu.memref_squeeze %dma_start3A_15 : memref<1x128x128xf32, #tpu.memory_space<vmem>> -> memref<128x128xf32, #tpu.memory_space<vmem>>
    %dma_start3A_17 = arith.constant 128 : i32
    %dma_start3A_18 = tpu.memref_slice %arg5[%dma_start3A_17] : memref<6400xi32, #tpu.memory_space<vmem>> -> memref<128xi32, #tpu.memory_space<vmem>>
    %dma_start3A_19 = arith.constant 0 : i32
    %dma_start3A_20 = arith.constant 0 : i32
    %dma_start3A_21 = tpu.memref_slice %arg2[%dma_start3A_19, %dma_start3A_20] : memref<100000x128xf32, #tpu.memory_space<hbm>> -> memref<100000x128xf32, #tpu.memory_space<hbm>>
    tpu.enqueue_indirect_dma source(%dma_start3A_21 : memref<100000x128xf32, #tpu.memory_space<hbm>>) target(%dma_start3A_16 : memref<128x128xf32, #tpu.memory_space<vmem>>) offsets(%dma_start3A_18 : memref<128xi32, #tpu.memory_space<vmem>>) semaphore(%arg9 : memref<!tpu.dma_semaphore, #tpu.memory_space<semaphore_mem>>)
    %dma_start3A_22 = arith.constant 2 : i32
    %dma_start3A_23 = arith.constant 0 : i32
    %dma_start3A_24 = arith.constant 0 : i32
    %dma_start3A_25 = tpu.memref_slice %arg6[%dma_start3A_22, %dma_start3A_23, %dma_start3A_24] : memref<3x128x128xf32, #tpu.memory_space<vmem>> -> memref<1x128x128xf32, #tpu.memory_space<vmem>>
    %dma_start3A_26 = tpu.memref_squeeze %dma_start3A_25 : memref<1x128x128xf32, #tpu.memory_space<vmem>> -> memref<128x128xf32, #tpu.memory_space<vmem>>
    %dma_start3A_27 = arith.constant 256 : i32
    %dma_start3A_28 = tpu.memref_slice %arg5[%dma_start3A_27] : memref<6400xi32, #tpu.memory_space<vmem>> -> memref<128xi32, #tpu.memory_space<vmem>>
    %dma_start3A_29 = arith.constant 0 : i32
    %dma_start3A_30 = arith.constant 0 : i32
    %dma_start3A_31 = tpu.memref_slice %arg2[%dma_start3A_29, %dma_start3A_30] : memref<100000x128xf32, #tpu.memory_space<hbm>> -> memref<100000x128xf32, #tpu.memory_space<hbm>>
    tpu.enqueue_indirect_dma source(%dma_start3A_31 : memref<100000x128xf32, #tpu.memory_space<hbm>>) target(%dma_start3A_26 : memref<128x128xf32, #tpu.memory_space<vmem>>) offsets(%dma_start3A_28 : memref<128xi32, #tpu.memory_space<vmem>>) semaphore(%arg10 : memref<!tpu.dma_semaphore, #tpu.memory_space<semaphore_mem>>)
    %scan3A = arith.constant 0 : i32
    %scan3A_32 = arith.constant 17 : i32
    %scan3A_33 = arith.addi %scan3A, %scan3A_32 : i32
    %scan3A_34 = arith.constant 1 : i32
    scf.for %scan3A_65 = %scan3A to %scan3A_33 step %scan3A_34  : i32 {
      %mul3A_66 = arith.constant 3 : i32
      %mul3A_67 = arith.muli %scan3A_65, %mul3A_66 : i32
      %add3A_68 = arith.constant 0 : i32
      %add3A_69 = arith.addi %add3A_68, %mul3A_67 : i32
      %add3A_70 = arith.constant 0 : i32
      %add3A_71 = arith.addi %add3A_69, %add3A_70 : i32
      %lt3A = arith.constant 50 : i32
      %lt3A_72 = arith.cmpi slt, %add3A_71, %lt3A : i32
      %convert_element_type3A = arith.extui %lt3A_72 : i1 to i32
      %cond3A = arith.constant 0 : i32
      %cond3A_73 = arith.cmpi ne, %convert_element_type3A, %cond3A : i32
      scf.if %cond3A_73 {
        %dma_wait3A_88 = arith.constant 0 : i32
        %dma_wait3A_89 = arith.constant 0 : i32
        %dma_wait3A_90 = arith.constant 0 : i32
        %dma_wait3A_91 = tpu.memref_slice %arg6[%dma_wait3A_88, %dma_wait3A_89, %dma_wait3A_90] : memref<3x128x128xf32, #tpu.memory_space<vmem>> -> memref<1x128x128xf32, #tpu.memory_space<vmem>>
        %dma_wait3A_92 = tpu.memref_squeeze %dma_wait3A_91 : memref<1x128x128xf32, #tpu.memory_space<vmem>> -> memref<128x128xf32, #tpu.memory_space<vmem>>
        %dma_wait3A_93 = arith.constant 0 : i32
        %dma_wait3A_94 = tpu.memref_slice %arg5[%dma_wait3A_93] : memref<6400xi32, #tpu.memory_space<vmem>> -> memref<128xi32, #tpu.memory_space<vmem>>
        %dma_wait3A_95 = arith.constant 0 : i32
        %dma_wait3A_96 = arith.constant 0 : i32
        %dma_wait3A_97 = tpu.memref_slice %arg2[%dma_wait3A_95, %dma_wait3A_96] : memref<100000x128xf32, #tpu.memory_space<hbm>> -> memref<100000x128xf32, #tpu.memory_space<hbm>>
        tpu.wait_indirect_dma semaphore(%arg8 : memref<!tpu.dma_semaphore, #tpu.memory_space<semaphore_mem>>) src(%dma_wait3A_97 : memref<100000x128xf32, #tpu.memory_space<hbm>>) dst(%dma_wait3A_92 : memref<128x128xf32, #tpu.memory_space<vmem>>)
        %ge3A = arith.constant 3 : i32
        %ge3A_98 = arith.cmpi sge, %add3A_71, %ge3A : i32
        %convert_element_type3A_99 = arith.extui %ge3A_98 : i1 to i32
        %cond3A_100 = arith.constant 0 : i32
        %cond3A_101 = arith.cmpi ne, %convert_element_type3A_99, %cond3A_100 : i32
        scf.if %cond3A_101 {
          %dma_wait3A_127 = arith.constant 0 : i32
          %dma_wait3A_128 = arith.constant 0 : i32
          %dma_wait3A_129 = arith.constant 0 : i32
          %dma_wait3A_130 = tpu.memref_slice %arg7[%dma_wait3A_127, %dma_wait3A_128, %dma_wait3A_129] : memref<3x128x128xf32, #tpu.memory_space<vmem>> -> memref<1x128x128xf32, #tpu.memory_space<vmem>>
          %dma_wait3A_131 = tpu.memref_squeeze %dma_wait3A_130 : memref<1x128x128xf32, #tpu.memory_space<vmem>> -> memref<128x128xf32, #tpu.memory_space<vmem>>
          %dma_wait3A_132 = arith.constant 0 : i32
          %dma_wait3A_133 = tpu.memref_slice %arg5[%dma_wait3A_132] : memref<6400xi32, #tpu.memory_space<vmem>> -> memref<128xi32, #tpu.memory_space<vmem>>
          %dma_wait3A_134 = arith.constant 0 : i32
          %dma_wait3A_135 = arith.constant 0 : i32
          %dma_wait3A_136 = tpu.memref_slice %arg2[%dma_wait3A_134, %dma_wait3A_135] : memref<100000x128xf32, #tpu.memory_space<hbm>> -> memref<100000x128xf32, #tpu.memory_space<hbm>>
          tpu.wait_indirect_dma semaphore(%arg11 : memref<!tpu.dma_semaphore, #tpu.memory_space<semaphore_mem>>) src(%dma_wait3A_136 : memref<100000x128xf32, #tpu.memory_space<hbm>>) dst(%dma_wait3A_131 : memref<128x128xf32, #tpu.memory_space<vmem>>)
        } else {
        }
        %parallel_loop3A = arith.constant 0 : i32
        %parallel_loop3A_102 = arith.constant 128 : i32
        %parallel_loop3A_103 = arith.constant 1 : i32
        scf.for %parallel_loop3A_127 = %parallel_loop3A to %parallel_loop3A_102 step %parallel_loop3A_103  : i32 {
          %parallel_loop3A_128 = arith.constant 0 : i32
          %parallel_loop3A_129 = arith.index_cast %parallel_loop3A_128 : i32 to index
          %parallel_loop3A_130 = arith.index_cast %parallel_loop3A_127 : i32 to index
          %parallel_loop3A_131 = arith.constant 0 : index
          %parallel_loop3A_132 = tpu.vector_load %arg6[%parallel_loop3A_129, %parallel_loop3A_130, %parallel_loop3A_131] {strides = array<i32>} : memref<3x128x128xf32, #tpu.memory_space<vmem>>, vector<1x1x16xf32>,
          %parallel_loop3A_133 = vector.shape_cast %parallel_loop3A_132 : vector<1x1x16xf32> to vector<16xf32>
          %parallel_loop3A_134 = arith.constant 11.3137083 : f32
          %parallel_loop3A_135 = vector.broadcast %parallel_loop3A_134 : f32 to vector<16xf32>
          %parallel_loop3A_136 = arith.mulf %parallel_loop3A_133, %parallel_loop3A_135 : vector<16xf32>
          %parallel_loop3A_137 = arith.constant 0 : i32
          %parallel_loop3A_138 = arith.index_cast %parallel_loop3A_137 : i32 to index
          %parallel_loop3A_139 = arith.index_cast %parallel_loop3A_127 : i32 to index
          %parallel_loop3A_140 = arith.constant 0 : index
          %parallel_loop3A_141 = tpu.vector_load %arg7[%parallel_loop3A_138, %parallel_loop3A_139, %parallel_loop3A_140] {strides = array<i32>} : memref<3x128x128xf32, #tpu.memory_space<vmem>>, vector<1x1x16xf32>,
          %parallel_loop3A_142 = vector.shape_cast %parallel_loop3A_141 : vector<1x1x16xf32> to vector<16xf32>
          %parallel_loop3A_143 = vector.shape_cast %parallel_loop3A_136 : vector<16xf32> to vector<1x1x16xf32>
          tpu.vector_store %arg7[%parallel_loop3A_138, %parallel_loop3A_139, %parallel_loop3A_140], %parallel_loop3A_143 {strides = array<i32>} : memref<3x128x128xf32, #tpu.memory_space<vmem>>, vector<1x1x16xf32>,
          %parallel_loop3A_144 = arith.constant 0 : i32
          %parallel_loop3A_145 = arith.index_cast %parallel_loop3A_144 : i32 to index
          %parallel_loop3A_146 = arith.index_cast %parallel_loop3A_127 : i32 to index
          %parallel_loop3A_147 = arith.constant 16 : index
          %parallel_loop3A_148 = tpu.vector_load %arg6[%parallel_loop3A_145, %parallel_loop3A_146, %parallel_loop3A_147] {strides = array<i32>} : memref<3x128x128xf32, #tpu.memory_space<vmem>>, vector<1x1x16xf32>,
          %parallel_loop3A_149 = vector.shape_cast %parallel_loop3A_148 : vector<1x1x16xf32> to vector<16xf32>
          %parallel_loop3A_150 = arith.constant 11.3137083 : f32
          %parallel_loop3A_151 = vector.broadcast %parallel_loop3A_150 : f32 to vector<16xf32>
          %parallel_loop3A_152 = arith.mulf %parallel_loop3A_149, %parallel_loop3A_151 : vector<16xf32>
          %parallel_loop3A_153 = arith.constant 0 : i32
          %parallel_loop3A_154 = arith.index_cast %parallel_loop3A_153 : i32 to index
          %parallel_loop3A_155 = arith.index_cast %parallel_loop3A_127 : i32 to index
          %parallel_loop3A_156 = arith.constant 16 : index
          %parallel_loop3A_157 = tpu.vector_load %arg7[%parallel_loop3A_154, %parallel_loop3A_155, %parallel_loop3A_156] {strides = array<i32>} : memref<3x128x128xf32, #tpu.memory_space<vmem>>, vector<1x1x16xf32>,
          %parallel_loop3A_158 = vector.shape_cast %parallel_loop3A_157 : vector<1x1x16xf32> to vector<16xf32>
          %parallel_loop3A_159 = vector.shape_cast %parallel_loop3A_152 : vector<16xf32> to vector<1x1x16xf32>
          tpu.vector_store %arg7[%parallel_loop3A_154, %parallel_loop3A_155, %parallel_loop3A_156], %parallel_loop3A_159 {strides = array<i32>} : memref<3x128x128xf32, #tpu.memory_space<vmem>>, vector<1x1x16xf32>,
          %parallel_loop3A_160 = arith.constant 0 : i32
          %parallel_loop3A_161 = arith.index_cast %parallel_loop3A_160 : i32 to index
          %parallel_loop3A_162 = arith.index_cast %parallel_loop3A_127 : i32 to index
          %parallel_loop3A_163 = arith.constant 32 : index
          %parallel_loop3A_164 = tpu.vector_load %arg6[%parallel_loop3A_161, %parallel_loop3A_162, %parallel_loop3A_163] {strides = array<i32>} : memref<3x128x128xf32, #tpu.memory_space<vmem>>, vector<1x1x16xf32>,
          %parallel_loop3A_165 = vector.shape_cast %parallel_loop3A_164 : vector<1x1x16xf32> to vector<16xf32>
          %parallel_loop3A_166 = arith.constant 11.3137083 : f32
          %parallel_loop3A_167 = vector.broadcast %parallel_loop3A_166 : f32 to vector<16xf32>
          %parallel_loop3A_168 = arith.mulf %parallel_loop3A_165, %parallel_loop3A_167 : vector<16xf32>
          %parallel_loop3A_169 = arith.constant 0 : i32
          %parallel_loop3A_170 = arith.index_cast %parallel_loop3A_169 : i32 to index
          %parallel_loop3A_171 = arith.index_cast %parallel_loop3A_127 : i32 to index
          %parallel_loop3A_172 = arith.constant 32 : index
          %parallel_loop3A_173 = tpu.vector_load %arg7[%parallel_loop3A_170, %parallel_loop3A_171, %parallel_loop3A_172] {strides = array<i32>} : memref<3x128x128xf32, #tpu.memory_space<vmem>>, vector<1x1x16xf32>,
          %parallel_loop3A_174 = vector.shape_cast %parallel_loop3A_173 : vector<1x1x16xf32> to vector<16xf32>
          %parallel_loop3A_175 = vector.shape_cast %parallel_loop3A_168 : vector<16xf32> to vector<1x1x16xf32>
          tpu.vector_store %arg7[%parallel_loop3A_170, %parallel_loop3A_171, %parallel_loop3A_172], %parallel_loop3A_175 {strides = array<i32>} : memref<3x128x128xf32, #tpu.memory_space<vmem>>, vector<1x1x16xf32>,
          %parallel_loop3A_176 = arith.constant 0 : i32
          %parallel_loop3A_177 = arith.index_cast %parallel_loop3A_176 : i32 to index
          %parallel_loop3A_178 = arith.index_cast %parallel_loop3A_127 : i32 to index
          %parallel_loop3A_179 = arith.constant 48 : index
          %parallel_loop3A_180 = tpu.vector_load %arg6[%parallel_loop3A_177, %parallel_loop3A_178, %parallel_loop3A_179] {strides = array<i32>} : memref<3x128x128xf32, #tpu.memory_space<vmem>>, vector<1x1x16xf32>,
          %parallel_loop3A_181 = vector.shape_cast %parallel_loop3A_180 : vector<1x1x16xf32> to vector<16xf32>
          %parallel_loop3A_182 = arith.constant 11.3137083 : f32
          %parallel_loop3A_183 = vector.broadcast %parallel_loop3A_182 : f32 to vector<16xf32>
          %parallel_loop3A_184 = arith.mulf %parallel_loop3A_181, %parallel_loop3A_183 : vector<16xf32>
          %parallel_loop3A_185 = arith.constant 0 : i32
          %parallel_loop3A_186 = arith.index_cast %parallel_loop3A_185 : i32 to index
          %parallel_loop3A_187 = arith.index_cast %parallel_loop3A_127 : i32 to index
          %parallel_loop3A_188 = arith.constant 48 : index
          %parallel_loop3A_189 = tpu.vector_load %arg7[%parallel_loop3A_186, %parallel_loop3A_187, %parallel_loop3A_188] {strides = array<i32>} : memref<3x128x128xf32, #tpu.memory_space<vmem>>, vector<1x1x16xf32>,
          %parallel_loop3A_190 = vector.shape_cast %parallel_loop3A_189 : vector<1x1x16xf32> to vector<16xf32>
          %parallel_loop3A_191 = vector.shape_cast %parallel_loop3A_184 : vector<16xf32> to vector<1x1x16xf32>
          tpu.vector_store %arg7[%parallel_loop3A_186, %parallel_loop3A_187, %parallel_loop3A_188], %parallel_loop3A_191 {strides = array<i32>} : memref<3x128x128xf32, #tpu.memory_space<vmem>>, vector<1x1x16xf32>,
          %parallel_loop3A_192 = arith.constant 0 : i32
          %parallel_loop3A_193 = arith.index_cast %parallel_loop3A_192 : i32 to index
          %parallel_loop3A_194 = arith.index_cast %parallel_loop3A_127 : i32 to index
          %parallel_loop3A_195 = arith.constant 64 : index
          %parallel_loop3A_196 = tpu.vector_load %arg6[%parallel_loop3A_193, %parallel_loop3A_194, %parallel_loop3A_195] {strides = array<i32>} : memref<3x128x128xf32, #tpu.memory_space<vmem>>, vector<1x1x16xf32>,
          %parallel_loop3A_197 = vector.shape_cast %parallel_loop3A_196 : vector<1x1x16xf32> to vector<16xf32>
          %parallel_loop3A_198 = arith.constant 11.3137083 : f32
          %parallel_loop3A_199 = vector.broadcast %parallel_loop3A_198 : f32 to vector<16xf32>
          %parallel_loop3A_200 = arith.mulf %parallel_loop3A_197, %parallel_loop3A_199 : vector<16xf32>
          %parallel_loop3A_201 = arith.constant 0 : i32
          %parallel_loop3A_202 = arith.index_cast %parallel_loop3A_201 : i32 to index
          %parallel_loop3A_203 = arith.index_cast %parallel_loop3A_127 : i32 to index
          %parallel_loop3A_204 = arith.constant 64 : index
          %parallel_loop3A_205 = tpu.vector_load %arg7[%parallel_loop3A_202, %parallel_loop3A_203, %parallel_loop3A_204] {strides = array<i32>} : memref<3x128x128xf32, #tpu.memory_space<vmem>>, vector<1x1x16xf32>,
          %parallel_loop3A_206 = vector.shape_cast %parallel_loop3A_205 : vector<1x1x16xf32> to vector<16xf32>
          %parallel_loop3A_207 = vector.shape_cast %parallel_loop3A_200 : vector<16xf32> to vector<1x1x16xf32>
          tpu.vector_store %arg7[%parallel_loop3A_202, %parallel_loop3A_203, %parallel_loop3A_204], %parallel_loop3A_207 {strides = array<i32>} : memref<3x128x128xf32, #tpu.memory_space<vmem>>, vector<1x1x16xf32>,
          %parallel_loop3A_208 = arith.constant 0 : i32
          %parallel_loop3A_209 = arith.index_cast %parallel_loop3A_208 : i32 to index
          %parallel_loop3A_210 = arith.index_cast %parallel_loop3A_127 : i32 to index
          %parallel_loop3A_211 = arith.constant 80 : index
          %parallel_loop3A_212 = tpu.vector_load %arg6[%parallel_loop3A_209, %parallel_loop3A_210, %parallel_loop3A_211] {strides = array<i32>} : memref<3x128x128xf32, #tpu.memory_space<vmem>>, vector<1x1x16xf32>,
          %parallel_loop3A_213 = vector.shape_cast %parallel_loop3A_212 : vector<1x1x16xf32> to vector<16xf32>
          %parallel_loop3A_214 = arith.constant 11.3137083 : f32
          %parallel_loop3A_215 = vector.broadcast %parallel_loop3A_214 : f32 to vector<16xf32>
          %parallel_loop3A_216 = arith.mulf %parallel_loop3A_213, %parallel_loop3A_215 : vector<16xf32>
          %parallel_loop3A_217 = arith.constant 0 : i32
          %parallel_loop3A_218 = arith.index_cast %parallel_loop3A_217 : i32 to index
          %parallel_loop3A_219 = arith.index_cast %parallel_loop3A_127 : i32 to index
          %parallel_loop3A_220 = arith.constant 80 : index
          %parallel_loop3A_221 = tpu.vector_load %arg7[%parallel_loop3A_218, %parallel_loop3A_219, %parallel_loop3A_220] {strides = array<i32>} : memref<3x128x128xf32, #tpu.memory_space<vmem>>, vector<1x1x16xf32>,
          %parallel_loop3A_222 = vector.shape_cast %parallel_loop3A_221 : vector<1x1x16xf32> to vector<16xf32>
          %parallel_loop3A_223 = vector.shape_cast %parallel_loop3A_216 : vector<16xf32> to vector<1x1x16xf32>
          tpu.vector_store %arg7[%parallel_loop3A_218, %parallel_loop3A_219, %parallel_loop3A_220], %parallel_loop3A_223 {strides = array<i32>} : memref<3x128x128xf32, #tpu.memory_space<vmem>>, vector<1x1x16xf32>,
          %parallel_loop3A_224 = arith.constant 0 : i32
          %parallel_loop3A_225 = arith.index_cast %parallel_loop3A_224 : i32 to index
          %parallel_loop3A_226 = arith.index_cast %parallel_loop3A_127 : i32 to index
          %parallel_loop3A_227 = arith.constant 96 : index
          %parallel_loop3A_228 = tpu.vector_load %arg6[%parallel_loop3A_225, %parallel_loop3A_226, %parallel_loop3A_227] {strides = array<i32>} : memref<3x128x128xf32, #tpu.memory_space<vmem>>, vector<1x1x16xf32>,
          %parallel_loop3A_229 = vector.shape_cast %parallel_loop3A_228 : vector<1x1x16xf32> to vector<16xf32>
          %parallel_loop3A_230 = arith.constant 11.3137083 : f32
          %parallel_loop3A_231 = vector.broadcast %parallel_loop3A_230 : f32 to vector<16xf32>
          %parallel_loop3A_232 = arith.mulf %parallel_loop3A_229, %parallel_loop3A_231 : vector<16xf32>
          %parallel_loop3A_233 = arith.constant 0 : i32
          %parallel_loop3A_234 = arith.index_cast %parallel_loop3A_233 : i32 to index
          %parallel_loop3A_235 = arith.index_cast %parallel_loop3A_127 : i32 to index
          %parallel_loop3A_236 = arith.constant 96 : index
          %parallel_loop3A_237 = tpu.vector_load %arg7[%parallel_loop3A_234, %parallel_loop3A_235, %parallel_loop3A_236] {strides = array<i32>} : memref<3x128x128xf32, #tpu.memory_space<vmem>>, vector<1x1x16xf32>,
          %parallel_loop3A_238 = vector.shape_cast %parallel_loop3A_237 : vector<1x1x16xf32> to vector<16xf32>
          %parallel_loop3A_239 = vector.shape_cast %parallel_loop3A_232 : vector<16xf32> to vector<1x1x16xf32>
          tpu.vector_store %arg7[%parallel_loop3A_234, %parallel_loop3A_235, %parallel_loop3A_236], %parallel_loop3A_239 {strides = array<i32>} : memref<3x128x128xf32, #tpu.memory_space<vmem>>, vector<1x1x16xf32>,
          %parallel_loop3A_240 = arith.constant 0 : i32
          %parallel_loop3A_241 = arith.index_cast %parallel_loop3A_240 : i32 to index
          %parallel_loop3A_242 = arith.index_cast %parallel_loop3A_127 : i32 to index
          %parallel_loop3A_243 = arith.constant 112 : index
          %parallel_loop3A_244 = tpu.vector_load %arg6[%parallel_loop3A_241, %parallel_loop3A_242, %parallel_loop3A_243] {strides = array<i32>} : memref<3x128x128xf32, #tpu.memory_space<vmem>>, vector<1x1x16xf32>,
          %parallel_loop3A_245 = vector.shape_cast %parallel_loop3A_244 : vector<1x1x16xf32> to vector<16xf32>
          %parallel_loop3A_246 = arith.constant 11.3137083 : f32
          %parallel_loop3A_247 = vector.broadcast %parallel_loop3A_246 : f32 to vector<16xf32>
          %parallel_loop3A_248 = arith.mulf %parallel_loop3A_245, %parallel_loop3A_247 : vector<16xf32>
          %parallel_loop3A_249 = arith.constant 0 : i32
          %parallel_loop3A_250 = arith.index_cast %parallel_loop3A_249 : i32 to index
          %parallel_loop3A_251 = arith.index_cast %parallel_loop3A_127 : i32 to index
          %parallel_loop3A_252 = arith.constant 112 : index
          %parallel_loop3A_253 = tpu.vector_load %arg7[%parallel_loop3A_250, %parallel_loop3A_251, %parallel_loop3A_252] {strides = array<i32>} : memref<3x128x128xf32, #tpu.memory_space<vmem>>, vector<1x1x16xf32>,
          %parallel_loop3A_254 = vector.shape_cast %parallel_loop3A_253 : vector<1x1x16xf32> to vector<16xf32>
          %parallel_loop3A_255 = vector.shape_cast %parallel_loop3A_248 : vector<16xf32> to vector<1x1x16xf32>
          tpu.vector_store %arg7[%parallel_loop3A_250, %parallel_loop3A_251, %parallel_loop3A_252], %parallel_loop3A_255 {strides = array<i32>} : memref<3x128x128xf32, #tpu.memory_space<vmem>>, vector<1x1x16xf32>,
        } {sc.loop_unroll_factor = 4 : i64, sc.parallel_access}
        %add3A_104 = arith.constant 3 : i32
        %add3A_105 = arith.addi %add3A_71, %add3A_104 : i32
        %lt3A_106 = arith.constant 50 : i32
        %lt3A_107 = arith.cmpi slt, %add3A_105, %lt3A_106 : i32
        %convert_element_type3A_108 = arith.extui %lt3A_107 : i1 to i32
        %cond3A_109 = arith.constant 0 : i32
        %cond3A_110 = arith.cmpi ne, %convert_element_type3A_108, %cond3A_109 : i32
        scf.if %cond3A_110 {
          %add3A_127 = arith.constant 3 : i32
          %add3A_128 = arith.addi %add3A_71, %add3A_127 : i32
          %mul3A_129 = arith.constant 128 : i32
          %mul3A_130 = arith.muli %add3A_128, %mul3A_129 : i32
          %dma_start3A_131 = arith.constant 0 : i32
          %dma_start3A_132 = arith.constant 0 : i32
          %dma_start3A_133 = arith.constant 0 : i32
          %dma_start3A_134 = tpu.memref_slice %arg6[%dma_start3A_131, %dma_start3A_132, %dma_start3A_133] : memref<3x128x128xf32, #tpu.memory_space<vmem>> -> memref<1x128x128xf32, #tpu.memory_space<vmem>>
          %dma_start3A_135 = tpu.memref_squeeze %dma_start3A_134 : memref<1x128x128xf32, #tpu.memory_space<vmem>> -> memref<128x128xf32, #tpu.memory_space<vmem>>
          %dma_start3A_136 = tpu.memref_slice %arg5[%mul3A_130] : memref<6400xi32, #tpu.memory_space<vmem>> -> memref<128xi32, #tpu.memory_space<vmem>>
          %dma_start3A_137 = arith.constant 0 : i32
          %dma_start3A_138 = arith.constant 0 : i32
          %dma_start3A_139 = tpu.memref_slice %arg2[%dma_start3A_137, %dma_start3A_138] : memref<100000x128xf32, #tpu.memory_space<hbm>> -> memref<100000x128xf32, #tpu.memory_space<hbm>>
          tpu.enqueue_indirect_dma source(%dma_start3A_139 : memref<100000x128xf32, #tpu.memory_space<hbm>>) target(%dma_start3A_135 : memref<128x128xf32, #tpu.memory_space<vmem>>) offsets(%dma_start3A_136 : memref<128xi32, #tpu.memory_space<vmem>>) semaphore(%arg8 : memref<!tpu.dma_semaphore, #tpu.memory_space<semaphore_mem>>)
        } else {
        }
        %mul3A_111 = arith.constant 128 : i32
        %mul3A_112 = arith.muli %add3A_71, %mul3A_111 : i32
        %add3A_113 = arith.addi %mul3A_2, %mul3A_112 : i32
        %dma_start3A_114 = arith.constant 0 : i32
        %dma_start3A_115 = arith.constant 0 : i32
        %dma_start3A_116 = arith.constant 0 : i32
        %dma_start3A_117 = tpu.memref_slice %arg7[%dma_start3A_114, %dma_start3A_115, %dma_start3A_116] : memref<3x128x128xf32, #tpu.memory_space<vmem>> -> memref<1x128x128xf32, #tpu.memory_space<vmem>>
        %dma_start3A_118 = tpu.memref_squeeze %dma_start3A_117 : memref<1x128x128xf32, #tpu.memory_space<vmem>> -> memref<128x128xf32, #tpu.memory_space<vmem>>
        %dma_start3A_119 = arith.constant 0 : i32
        %dma_start3A_120 = tpu.memref_slice %arg4[%add3A_113, %dma_start3A_119] : memref<204800x128xf32, #tpu.memory_space<hbm>> -> memref<128x128xf32, #tpu.memory_space<hbm>>
        %dma_start3A_121 = arith.constant 0 : i32
        %dma_start3A_122 = tpu.memref_slice %arg4[%add3A_113, %dma_start3A_121] : memref<204800x128xf32, #tpu.memory_space<hbm>> -> memref<128x128xf32, #tpu.memory_space<hbm>>
        %dma_start3A_123 = arith.constant 0 : i32
        %dma_start3A_124 = arith.constant 0 : i32
        %dma_start3A_125 = tpu.memref_slice %arg7[%dma_start3A_114, %dma_start3A_123, %dma_start3A_124] : memref<3x128x128xf32, #tpu.memory_space<vmem>> -> memref<1x128x128xf32, #tpu.memory_space<vmem>>
        %dma_start3A_126 = tpu.memref_squeeze %dma_start3A_125 : memref<1x128x128xf32, #tpu.memory_space<vmem>> -> memref<128x128xf32, #tpu.memory_space<vmem>>
        tpu.enqueue_dma source(%dma_start3A_126 : memref<128x128xf32, #tpu.memory_space<vmem>>) target(%dma_start3A_122 : memref<128x128xf32, #tpu.memory_space<hbm>>) target_semaphore(%arg11 : memref<!tpu.dma_semaphore, #tpu.memory_space<semaphore_mem>>)
      } else {
      }
      %add3A_74 = arith.constant 1 : i32
      %add3A_75 = arith.addi %add3A_69, %add3A_74 : i32
      %lt3A_76 = arith.constant 50 : i32
      %lt3A_77 = arith.cmpi slt, %add3A_75, %lt3A_76 : i32
      %convert_element_type3A_78 = arith.extui %lt3A_77 : i1 to i32
      %cond3A_79 = arith.constant 0 : i32
      %cond3A_80 = arith.cmpi ne, %convert_element_type3A_78, %cond3A_79 : i32
      scf.if %cond3A_80 {
        %dma_wait3A_88 = arith.constant 1 : i32
        %dma_wait3A_89 = arith.constant 0 : i32
        %dma_wait3A_90 = arith.constant 0 : i32
        %dma_wait3A_91 = tpu.memref_slice %arg6[%dma_wait3A_88, %dma_wait3A_89, %dma_wait3A_90] : memref<3x128x128xf32, #tpu.memory_space<vmem>> -> memref<1x128x128xf32, #tpu.memory_space<vmem>>
        %dma_wait3A_92 = tpu.memref_squeeze %dma_wait3A_91 : memref<1x128x128xf32, #tpu.memory_space<vmem>> -> memref<128x128xf32, #tpu.memory_space<vmem>>
        %dma_wait3A_93 = arith.constant 0 : i32
        %dma_wait3A_94 = tpu.memref_slice %arg5[%dma_wait3A_93] : memref<6400xi32, #tpu.memory_space<vmem>> -> memref<128xi32, #tpu.memory_space<vmem>>
        %dma_wait3A_95 = arith.constant 0 : i32
        %dma_wait3A_96 = arith.constant 0 : i32
        %dma_wait3A_97 = tpu.memref_slice %arg2[%dma_wait3A_95, %dma_wait3A_96] : memref<100000x128xf32, #tpu.memory_space<hbm>> -> memref<100000x128xf32, #tpu.memory_space<hbm>>
        tpu.wait_indirect_dma semaphore(%arg9 : memref<!tpu.dma_semaphore, #tpu.memory_space<semaphore_mem>>) src(%dma_wait3A_97 : memref<100000x128xf32, #tpu.memory_space<hbm>>) dst(%dma_wait3A_92 : memref<128x128xf32, #tpu.memory_space<vmem>>)
        %ge3A = arith.constant 3 : i32
        %ge3A_98 = arith.cmpi sge, %add3A_75, %ge3A : i32
        %convert_element_type3A_99 = arith.extui %ge3A_98 : i1 to i32
        %cond3A_100 = arith.constant 0 : i32
        %cond3A_101 = arith.cmpi ne, %convert_element_type3A_99, %cond3A_100 : i32
        scf.if %cond3A_101 {
          %dma_wait3A_127 = arith.constant 1 : i32
          %dma_wait3A_128 = arith.constant 0 : i32
          %dma_wait3A_129 = arith.constant 0 : i32
          %dma_wait3A_130 = tpu.memref_slice %arg7[%dma_wait3A_127, %dma_wait3A_128, %dma_wait3A_129] : memref<3x128x128xf32, #tpu.memory_space<vmem>> -> memref<1x128x128xf32, #tpu.memory_space<vmem>>
          %dma_wait3A_131 = tpu.memref_squeeze %dma_wait3A_130 : memref<1x128x128xf32, #tpu.memory_space<vmem>> -> memref<128x128xf32, #tpu.memory_space<vmem>>
          %dma_wait3A_132 = arith.constant 0 : i32
          %dma_wait3A_133 = tpu.memref_slice %arg5[%dma_wait3A_132] : memref<6400xi32, #tpu.memory_space<vmem>> -> memref<128xi32, #tpu.memory_space<vmem>>
          %dma_wait3A_134 = arith.constant 0 : i32
          %dma_wait3A_135 = arith.constant 0 : i32
          %dma_wait3A_136 = tpu.memref_slice %arg2[%dma_wait3A_134, %dma_wait3A_135] : memref<100000x128xf32, #tpu.memory_space<hbm>> -> memref<100000x128xf32, #tpu.memory_space<hbm>>
          tpu.wait_indirect_dma semaphore(%arg12 : memref<!tpu.dma_semaphore, #tpu.memory_space<semaphore_mem>>) src(%dma_wait3A_136 : memref<100000x128xf32, #tpu.memory_space<hbm>>) dst(%dma_wait3A_131 : memref<128x128xf32, #tpu.memory_space<vmem>>)
        } else {
        }
        %parallel_loop3A = arith.constant 0 : i32
        %parallel_loop3A_102 = arith.constant 128 : i32
        %parallel_loop3A_103 = arith.constant 1 : i32
        scf.for %parallel_loop3A_127 = %parallel_loop3A to %parallel_loop3A_102 step %parallel_loop3A_103  : i32 {
          %parallel_loop3A_128 = arith.constant 1 : i32
          %parallel_loop3A_129 = arith.index_cast %parallel_loop3A_128 : i32 to index
          %parallel_loop3A_130 = arith.index_cast %parallel_loop3A_127 : i32 to index
          %parallel_loop3A_131 = arith.constant 0 : index
          %parallel_loop3A_132 = tpu.vector_load %arg6[%parallel_loop3A_129, %parallel_loop3A_130, %parallel_loop3A_131] {strides = array<i32>} : memref<3x128x128xf32, #tpu.memory_space<vmem>>, vector<1x1x16xf32>,
          %parallel_loop3A_133 = vector.shape_cast %parallel_loop3A_132 : vector<1x1x16xf32> to vector<16xf32>
          %parallel_loop3A_134 = arith.constant 11.3137083 : f32
          %parallel_loop3A_135 = vector.broadcast %parallel_loop3A_134 : f32 to vector<16xf32>
          %parallel_loop3A_136 = arith.mulf %parallel_loop3A_133, %parallel_loop3A_135 : vector<16xf32>
          %parallel_loop3A_137 = arith.constant 1 : i32
          %parallel_loop3A_138 = arith.index_cast %parallel_loop3A_137 : i32 to index
          %parallel_loop3A_139 = arith.index_cast %parallel_loop3A_127 : i32 to index
          %parallel_loop3A_140 = arith.constant 0 : index
          %parallel_loop3A_141 = tpu.vector_load %arg7[%parallel_loop3A_138, %parallel_loop3A_139, %parallel_loop3A_140] {strides = array<i32>} : memref<3x128x128xf32, #tpu.memory_space<vmem>>, vector<1x1x16xf32>,
          %parallel_loop3A_142 = vector.shape_cast %parallel_loop3A_141 : vector<1x1x16xf32> to vector<16xf32>
          %parallel_loop3A_143 = vector.shape_cast %parallel_loop3A_136 : vector<16xf32> to vector<1x1x16xf32>
          tpu.vector_store %arg7[%parallel_loop3A_138, %parallel_loop3A_139, %parallel_loop3A_140], %parallel_loop3A_143 {strides = array<i32>} : memref<3x128x128xf32, #tpu.memory_space<vmem>>, vector<1x1x16xf32>,
          %parallel_loop3A_144 = arith.constant 1 : i32
          %parallel_loop3A_145 = arith.index_cast %parallel_loop3A_144 : i32 to index
          %parallel_loop3A_146 = arith.index_cast %parallel_loop3A_127 : i32 to index
          %parallel_loop3A_147 = arith.constant 16 : index
          %parallel_loop3A_148 = tpu.vector_load %arg6[%parallel_loop3A_145, %parallel_loop3A_146, %parallel_loop3A_147] {strides = array<i32>} : memref<3x128x128xf32, #tpu.memory_space<vmem>>, vector<1x1x16xf32>,
          %parallel_loop3A_149 = vector.shape_cast %parallel_loop3A_148 : vector<1x1x16xf32> to vector<16xf32>
          %parallel_loop3A_150 = arith.constant 11.3137083 : f32
          %parallel_loop3A_151 = vector.broadcast %parallel_loop3A_150 : f32 to vector<16xf32>
          %parallel_loop3A_152 = arith.mulf %parallel_loop3A_149, %parallel_loop3A_151 : vector<16xf32>
          %parallel_loop3A_153 = arith.constant 1 : i32
          %parallel_loop3A_154 = arith.index_cast %parallel_loop3A_153 : i32 to index
          %parallel_loop3A_155 = arith.index_cast %parallel_loop3A_127 : i32 to index
          %parallel_loop3A_156 = arith.constant 16 : index
          %parallel_loop3A_157 = tpu.vector_load %arg7[%parallel_loop3A_154, %parallel_loop3A_155, %parallel_loop3A_156] {strides = array<i32>} : memref<3x128x128xf32, #tpu.memory_space<vmem>>, vector<1x1x16xf32>,
          %parallel_loop3A_158 = vector.shape_cast %parallel_loop3A_157 : vector<1x1x16xf32> to vector<16xf32>
          %parallel_loop3A_159 = vector.shape_cast %parallel_loop3A_152 : vector<16xf32> to vector<1x1x16xf32>
          tpu.vector_store %arg7[%parallel_loop3A_154, %parallel_loop3A_155, %parallel_loop3A_156], %parallel_loop3A_159 {strides = array<i32>} : memref<3x128x128xf32, #tpu.memory_space<vmem>>, vector<1x1x16xf32>,
          %parallel_loop3A_160 = arith.constant 1 : i32
          %parallel_loop3A_161 = arith.index_cast %parallel_loop3A_160 : i32 to index
          %parallel_loop3A_162 = arith.index_cast %parallel_loop3A_127 : i32 to index
          %parallel_loop3A_163 = arith.constant 32 : index
          %parallel_loop3A_164 = tpu.vector_load %arg6[%parallel_loop3A_161, %parallel_loop3A_162, %parallel_loop3A_163] {strides = array<i32>} : memref<3x128x128xf32, #tpu.memory_space<vmem>>, vector<1x1x16xf32>,
          %parallel_loop3A_165 = vector.shape_cast %parallel_loop3A_164 : vector<1x1x16xf32> to vector<16xf32>
          %parallel_loop3A_166 = arith.constant 11.3137083 : f32
          %parallel_loop3A_167 = vector.broadcast %parallel_loop3A_166 : f32 to vector<16xf32>
          %parallel_loop3A_168 = arith.mulf %parallel_loop3A_165, %parallel_loop3A_167 : vector<16xf32>
          %parallel_loop3A_169 = arith.constant 1 : i32
          %parallel_loop3A_170 = arith.index_cast %parallel_loop3A_169 : i32 to index
          %parallel_loop3A_171 = arith.index_cast %parallel_loop3A_127 : i32 to index
          %parallel_loop3A_172 = arith.constant 32 : index
          %parallel_loop3A_173 = tpu.vector_load %arg7[%parallel_loop3A_170, %parallel_loop3A_171, %parallel_loop3A_172] {strides = array<i32>} : memref<3x128x128xf32, #tpu.memory_space<vmem>>, vector<1x1x16xf32>,
          %parallel_loop3A_174 = vector.shape_cast %parallel_loop3A_173 : vector<1x1x16xf32> to vector<16xf32>
          %parallel_loop3A_175 = vector.shape_cast %parallel_loop3A_168 : vector<16xf32> to vector<1x1x16xf32>
          tpu.vector_store %arg7[%parallel_loop3A_170, %parallel_loop3A_171, %parallel_loop3A_172], %parallel_loop3A_175 {strides = array<i32>} : memref<3x128x128xf32, #tpu.memory_space<vmem>>, vector<1x1x16xf32>,
          %parallel_loop3A_176 = arith.constant 1 : i32
          %parallel_loop3A_177 = arith.index_cast %parallel_loop3A_176 : i32 to index
          %parallel_loop3A_178 = arith.index_cast %parallel_loop3A_127 : i32 to index
          %parallel_loop3A_179 = arith.constant 48 : index
          %parallel_loop3A_180 = tpu.vector_load %arg6[%parallel_loop3A_177, %parallel_loop3A_178, %parallel_loop3A_179] {strides = array<i32>} : memref<3x128x128xf32, #tpu.memory_space<vmem>>, vector<1x1x16xf32>,
          %parallel_loop3A_181 = vector.shape_cast %parallel_loop3A_180 : vector<1x1x16xf32> to vector<16xf32>
          %parallel_loop3A_182 = arith.constant 11.3137083 : f32
          %parallel_loop3A_183 = vector.broadcast %parallel_loop3A_182 : f32 to vector<16xf32>
          %parallel_loop3A_184 = arith.mulf %parallel_loop3A_181, %parallel_loop3A_183 : vector<16xf32>
          %parallel_loop3A_185 = arith.constant 1 : i32
          %parallel_loop3A_186 = arith.index_cast %parallel_loop3A_185 : i32 to index
          %parallel_loop3A_187 = arith.index_cast %parallel_loop3A_127 : i32 to index
          %parallel_loop3A_188 = arith.constant 48 : index
          %parallel_loop3A_189 = tpu.vector_load %arg7[%parallel_loop3A_186, %parallel_loop3A_187, %parallel_loop3A_188] {strides = array<i32>} : memref<3x128x128xf32, #tpu.memory_space<vmem>>, vector<1x1x16xf32>,
          %parallel_loop3A_190 = vector.shape_cast %parallel_loop3A_189 : vector<1x1x16xf32> to vector<16xf32>
          %parallel_loop3A_191 = vector.shape_cast %parallel_loop3A_184 : vector<16xf32> to vector<1x1x16xf32>
          tpu.vector_store %arg7[%parallel_loop3A_186, %parallel_loop3A_187, %parallel_loop3A_188], %parallel_loop3A_191 {strides = array<i32>} : memref<3x128x128xf32, #tpu.memory_space<vmem>>, vector<1x1x16xf32>,
          %parallel_loop3A_192 = arith.constant 1 : i32
          %parallel_loop3A_193 = arith.index_cast %parallel_loop3A_192 : i32 to index
          %parallel_loop3A_194 = arith.index_cast %parallel_loop3A_127 : i32 to index
          %parallel_loop3A_195 = arith.constant 64 : index
          %parallel_loop3A_196 = tpu.vector_load %arg6[%parallel_loop3A_193, %parallel_loop3A_194, %parallel_loop3A_195] {strides = array<i32>} : memref<3x128x128xf32, #tpu.memory_space<vmem>>, vector<1x1x16xf32>,
          %parallel_loop3A_197 = vector.shape_cast %parallel_loop3A_196 : vector<1x1x16xf32> to vector<16xf32>
          %parallel_loop3A_198 = arith.constant 11.3137083 : f32
          %parallel_loop3A_199 = vector.broadcast %parallel_loop3A_198 : f32 to vector<16xf32>
          %parallel_loop3A_200 = arith.mulf %parallel_loop3A_197, %parallel_loop3A_199 : vector<16xf32>
          %parallel_loop3A_201 = arith.constant 1 : i32
          %parallel_loop3A_202 = arith.index_cast %parallel_loop3A_201 : i32 to index
          %parallel_loop3A_203 = arith.index_cast %parallel_loop3A_127 : i32 to index
          %parallel_loop3A_204 = arith.constant 64 : index
          %parallel_loop3A_205 = tpu.vector_load %arg7[%parallel_loop3A_202, %parallel_loop3A_203, %parallel_loop3A_204] {strides = array<i32>} : memref<3x128x128xf32, #tpu.memory_space<vmem>>, vector<1x1x16xf32>,
          %parallel_loop3A_206 = vector.shape_cast %parallel_loop3A_205 : vector<1x1x16xf32> to vector<16xf32>
          %parallel_loop3A_207 = vector.shape_cast %parallel_loop3A_200 : vector<16xf32> to vector<1x1x16xf32>
          tpu.vector_store %arg7[%parallel_loop3A_202, %parallel_loop3A_203, %parallel_loop3A_204], %parallel_loop3A_207 {strides = array<i32>} : memref<3x128x128xf32, #tpu.memory_space<vmem>>, vector<1x1x16xf32>,
          %parallel_loop3A_208 = arith.constant 1 : i32
          %parallel_loop3A_209 = arith.index_cast %parallel_loop3A_208 : i32 to index
          %parallel_loop3A_210 = arith.index_cast %parallel_loop3A_127 : i32 to index
          %parallel_loop3A_211 = arith.constant 80 : index
          %parallel_loop3A_212 = tpu.vector_load %arg6[%parallel_loop3A_209, %parallel_loop3A_210, %parallel_loop3A_211] {strides = array<i32>} : memref<3x128x128xf32, #tpu.memory_space<vmem>>, vector<1x1x16xf32>,
          %parallel_loop3A_213 = vector.shape_cast %parallel_loop3A_212 : vector<1x1x16xf32> to vector<16xf32>
          %parallel_loop3A_214 = arith.constant 11.3137083 : f32
          %parallel_loop3A_215 = vector.broadcast %parallel_loop3A_214 : f32 to vector<16xf32>
          %parallel_loop3A_216 = arith.mulf %parallel_loop3A_213, %parallel_loop3A_215 : vector<16xf32>
          %parallel_loop3A_217 = arith.constant 1 : i32
          %parallel_loop3A_218 = arith.index_cast %parallel_loop3A_217 : i32 to index
          %parallel_loop3A_219 = arith.index_cast %parallel_loop3A_127 : i32 to index
          %parallel_loop3A_220 = arith.constant 80 : index
          %parallel_loop3A_221 = tpu.vector_load %arg7[%parallel_loop3A_218, %parallel_loop3A_219, %parallel_loop3A_220] {strides = array<i32>} : memref<3x128x128xf32, #tpu.memory_space<vmem>>, vector<1x1x16xf32>,
          %parallel_loop3A_222 = vector.shape_cast %parallel_loop3A_221 : vector<1x1x16xf32> to vector<16xf32>
          %parallel_loop3A_223 = vector.shape_cast %parallel_loop3A_216 : vector<16xf32> to vector<1x1x16xf32>
          tpu.vector_store %arg7[%parallel_loop3A_218, %parallel_loop3A_219, %parallel_loop3A_220], %parallel_loop3A_223 {strides = array<i32>} : memref<3x128x128xf32, #tpu.memory_space<vmem>>, vector<1x1x16xf32>,
          %parallel_loop3A_224 = arith.constant 1 : i32
          %parallel_loop3A_225 = arith.index_cast %parallel_loop3A_224 : i32 to index
          %parallel_loop3A_226 = arith.index_cast %parallel_loop3A_127 : i32 to index
          %parallel_loop3A_227 = arith.constant 96 : index
          %parallel_loop3A_228 = tpu.vector_load %arg6[%parallel_loop3A_225, %parallel_loop3A_226, %parallel_loop3A_227] {strides = array<i32>} : memref<3x128x128xf32, #tpu.memory_space<vmem>>, vector<1x1x16xf32>,
          %parallel_loop3A_229 = vector.shape_cast %parallel_loop3A_228 : vector<1x1x16xf32> to vector<16xf32>
          %parallel_loop3A_230 = arith.constant 11.3137083 : f32
          %parallel_loop3A_231 = vector.broadcast %parallel_loop3A_230 : f32 to vector<16xf32>
          %parallel_loop3A_232 = arith.mulf %parallel_loop3A_229, %parallel_loop3A_231 : vector<16xf32>
          %parallel_loop3A_233 = arith.constant 1 : i32
          %parallel_loop3A_234 = arith.index_cast %parallel_loop3A_233 : i32 to index
          %parallel_loop3A_235 = arith.index_cast %parallel_loop3A_127 : i32 to index
          %parallel_loop3A_236 = arith.constant 96 : index
          %parallel_loop3A_237 = tpu.vector_load %arg7[%parallel_loop3A_234, %parallel_loop3A_235, %parallel_loop3A_236] {strides = array<i32>} : memref<3x128x128xf32, #tpu.memory_space<vmem>>, vector<1x1x16xf32>,
          %parallel_loop3A_238 = vector.shape_cast %parallel_loop3A_237 : vector<1x1x16xf32> to vector<16xf32>
          %parallel_loop3A_239 = vector.shape_cast %parallel_loop3A_232 : vector<16xf32> to vector<1x1x16xf32>
          tpu.vector_store %arg7[%parallel_loop3A_234, %parallel_loop3A_235, %parallel_loop3A_236], %parallel_loop3A_239 {strides = array<i32>} : memref<3x128x128xf32, #tpu.memory_space<vmem>>, vector<1x1x16xf32>,
          %parallel_loop3A_240 = arith.constant 1 : i32
          %parallel_loop3A_241 = arith.index_cast %parallel_loop3A_240 : i32 to index
          %parallel_loop3A_242 = arith.index_cast %parallel_loop3A_127 : i32 to index
          %parallel_loop3A_243 = arith.constant 112 : index
          %parallel_loop3A_244 = tpu.vector_load %arg6[%parallel_loop3A_241, %parallel_loop3A_242, %parallel_loop3A_243] {strides = array<i32>} : memref<3x128x128xf32, #tpu.memory_space<vmem>>, vector<1x1x16xf32>,
          %parallel_loop3A_245 = vector.shape_cast %parallel_loop3A_244 : vector<1x1x16xf32> to vector<16xf32>
          %parallel_loop3A_246 = arith.constant 11.3137083 : f32
          %parallel_loop3A_247 = vector.broadcast %parallel_loop3A_246 : f32 to vector<16xf32>
          %parallel_loop3A_248 = arith.mulf %parallel_loop3A_245, %parallel_loop3A_247 : vector<16xf32>
          %parallel_loop3A_249 = arith.constant 1 : i32
          %parallel_loop3A_250 = arith.index_cast %parallel_loop3A_249 : i32 to index
          %parallel_loop3A_251 = arith.index_cast %parallel_loop3A_127 : i32 to index
          %parallel_loop3A_252 = arith.constant 112 : index
          %parallel_loop3A_253 = tpu.vector_load %arg7[%parallel_loop3A_250, %parallel_loop3A_251, %parallel_loop3A_252] {strides = array<i32>} : memref<3x128x128xf32, #tpu.memory_space<vmem>>, vector<1x1x16xf32>,
          %parallel_loop3A_254 = vector.shape_cast %parallel_loop3A_253 : vector<1x1x16xf32> to vector<16xf32>
          %parallel_loop3A_255 = vector.shape_cast %parallel_loop3A_248 : vector<16xf32> to vector<1x1x16xf32>
          tpu.vector_store %arg7[%parallel_loop3A_250, %parallel_loop3A_251, %parallel_loop3A_252], %parallel_loop3A_255 {strides = array<i32>} : memref<3x128x128xf32, #tpu.memory_space<vmem>>, vector<1x1x16xf32>,
        } {sc.loop_unroll_factor = 4 : i64, sc.parallel_access}
        %add3A_104 = arith.constant 3 : i32
        %add3A_105 = arith.addi %add3A_75, %add3A_104 : i32
        %lt3A_106 = arith.constant 50 : i32
        %lt3A_107 = arith.cmpi slt, %add3A_105, %lt3A_106 : i32
        %convert_element_type3A_108 = arith.extui %lt3A_107 : i1 to i32
        %cond3A_109 = arith.constant 0 : i32
        %cond3A_110 = arith.cmpi ne, %convert_element_type3A_108, %cond3A_109 : i32
        scf.if %cond3A_110 {
          %add3A_127 = arith.constant 3 : i32
          %add3A_128 = arith.addi %add3A_75, %add3A_127 : i32
          %mul3A_129 = arith.constant 128 : i32
          %mul3A_130 = arith.muli %add3A_128, %mul3A_129 : i32
          %dma_start3A_131 = arith.constant 1 : i32
          %dma_start3A_132 = arith.constant 0 : i32
          %dma_start3A_133 = arith.constant 0 : i32
          %dma_start3A_134 = tpu.memref_slice %arg6[%dma_start3A_131, %dma_start3A_132, %dma_start3A_133] : memref<3x128x128xf32, #tpu.memory_space<vmem>> -> memref<1x128x128xf32, #tpu.memory_space<vmem>>
          %dma_start3A_135 = tpu.memref_squeeze %dma_start3A_134 : memref<1x128x128xf32, #tpu.memory_space<vmem>> -> memref<128x128xf32, #tpu.memory_space<vmem>>
          %dma_start3A_136 = tpu.memref_slice %arg5[%mul3A_130] : memref<6400xi32, #tpu.memory_space<vmem>> -> memref<128xi32, #tpu.memory_space<vmem>>
          %dma_start3A_137 = arith.constant 0 : i32
          %dma_start3A_138 = arith.constant 0 : i32
          %dma_start3A_139 = tpu.memref_slice %arg2[%dma_start3A_137, %dma_start3A_138] : memref<100000x128xf32, #tpu.memory_space<hbm>> -> memref<100000x128xf32, #tpu.memory_space<hbm>>
          tpu.enqueue_indirect_dma source(%dma_start3A_139 : memref<100000x128xf32, #tpu.memory_space<hbm>>) target(%dma_start3A_135 : memref<128x128xf32, #tpu.memory_space<vmem>>) offsets(%dma_start3A_136 : memref<128xi32, #tpu.memory_space<vmem>>) semaphore(%arg9 : memref<!tpu.dma_semaphore, #tpu.memory_space<semaphore_mem>>)
        } else {
        }
        %mul3A_111 = arith.constant 128 : i32
        %mul3A_112 = arith.muli %add3A_75, %mul3A_111 : i32
        %add3A_113 = arith.addi %mul3A_2, %mul3A_112 : i32
        %dma_start3A_114 = arith.constant 1 : i32
        %dma_start3A_115 = arith.constant 0 : i32
        %dma_start3A_116 = arith.constant 0 : i32
        %dma_start3A_117 = tpu.memref_slice %arg7[%dma_start3A_114, %dma_start3A_115, %dma_start3A_116] : memref<3x128x128xf32, #tpu.memory_space<vmem>> -> memref<1x128x128xf32, #tpu.memory_space<vmem>>
        %dma_start3A_118 = tpu.memref_squeeze %dma_start3A_117 : memref<1x128x128xf32, #tpu.memory_space<vmem>> -> memref<128x128xf32, #tpu.memory_space<vmem>>
        %dma_start3A_119 = arith.constant 0 : i32
        %dma_start3A_120 = tpu.memref_slice %arg4[%add3A_113, %dma_start3A_119] : memref<204800x128xf32, #tpu.memory_space<hbm>> -> memref<128x128xf32, #tpu.memory_space<hbm>>
        %dma_start3A_121 = arith.constant 0 : i32
        %dma_start3A_122 = tpu.memref_slice %arg4[%add3A_113, %dma_start3A_121] : memref<204800x128xf32, #tpu.memory_space<hbm>> -> memref<128x128xf32, #tpu.memory_space<hbm>>
        %dma_start3A_123 = arith.constant 0 : i32
        %dma_start3A_124 = arith.constant 0 : i32
        %dma_start3A_125 = tpu.memref_slice %arg7[%dma_start3A_114, %dma_start3A_123, %dma_start3A_124] : memref<3x128x128xf32, #tpu.memory_space<vmem>> -> memref<1x128x128xf32, #tpu.memory_space<vmem>>
        %dma_start3A_126 = tpu.memref_squeeze %dma_start3A_125 : memref<1x128x128xf32, #tpu.memory_space<vmem>> -> memref<128x128xf32, #tpu.memory_space<vmem>>
        tpu.enqueue_dma source(%dma_start3A_126 : memref<128x128xf32, #tpu.memory_space<vmem>>) target(%dma_start3A_122 : memref<128x128xf32, #tpu.memory_space<hbm>>) target_semaphore(%arg12 : memref<!tpu.dma_semaphore, #tpu.memory_space<semaphore_mem>>)
      } else {
      }
      %add3A_81 = arith.constant 2 : i32
      %add3A_82 = arith.addi %add3A_69, %add3A_81 : i32
      %lt3A_83 = arith.constant 50 : i32
      %lt3A_84 = arith.cmpi slt, %add3A_82, %lt3A_83 : i32
      %convert_element_type3A_85 = arith.extui %lt3A_84 : i1 to i32
      %cond3A_86 = arith.constant 0 : i32
      %cond3A_87 = arith.cmpi ne, %convert_element_type3A_85, %cond3A_86 : i32
      scf.if %cond3A_87 {
        %dma_wait3A_88 = arith.constant 2 : i32
        %dma_wait3A_89 = arith.constant 0 : i32
        %dma_wait3A_90 = arith.constant 0 : i32
        %dma_wait3A_91 = tpu.memref_slice %arg6[%dma_wait3A_88, %dma_wait3A_89, %dma_wait3A_90] : memref<3x128x128xf32, #tpu.memory_space<vmem>> -> memref<1x128x128xf32, #tpu.memory_space<vmem>>
        %dma_wait3A_92 = tpu.memref_squeeze %dma_wait3A_91 : memref<1x128x128xf32, #tpu.memory_space<vmem>> -> memref<128x128xf32, #tpu.memory_space<vmem>>
        %dma_wait3A_93 = arith.constant 0 : i32
        %dma_wait3A_94 = tpu.memref_slice %arg5[%dma_wait3A_93] : memref<6400xi32, #tpu.memory_space<vmem>> -> memref<128xi32, #tpu.memory_space<vmem>>
        %dma_wait3A_95 = arith.constant 0 : i32
        %dma_wait3A_96 = arith.constant 0 : i32
        %dma_wait3A_97 = tpu.memref_slice %arg2[%dma_wait3A_95, %dma_wait3A_96] : memref<100000x128xf32, #tpu.memory_space<hbm>> -> memref<100000x128xf32, #tpu.memory_space<hbm>>
        tpu.wait_indirect_dma semaphore(%arg10 : memref<!tpu.dma_semaphore, #tpu.memory_space<semaphore_mem>>) src(%dma_wait3A_97 : memref<100000x128xf32, #tpu.memory_space<hbm>>) dst(%dma_wait3A_92 : memref<128x128xf32, #tpu.memory_space<vmem>>)
        %ge3A = arith.constant 3 : i32
        %ge3A_98 = arith.cmpi sge, %add3A_82, %ge3A : i32
        %convert_element_type3A_99 = arith.extui %ge3A_98 : i1 to i32
        %cond3A_100 = arith.constant 0 : i32
        %cond3A_101 = arith.cmpi ne, %convert_element_type3A_99, %cond3A_100 : i32
        scf.if %cond3A_101 {
          %dma_wait3A_127 = arith.constant 2 : i32
          %dma_wait3A_128 = arith.constant 0 : i32
          %dma_wait3A_129 = arith.constant 0 : i32
          %dma_wait3A_130 = tpu.memref_slice %arg7[%dma_wait3A_127, %dma_wait3A_128, %dma_wait3A_129] : memref<3x128x128xf32, #tpu.memory_space<vmem>> -> memref<1x128x128xf32, #tpu.memory_space<vmem>>
          %dma_wait3A_131 = tpu.memref_squeeze %dma_wait3A_130 : memref<1x128x128xf32, #tpu.memory_space<vmem>> -> memref<128x128xf32, #tpu.memory_space<vmem>>
          %dma_wait3A_132 = arith.constant 0 : i32
          %dma_wait3A_133 = tpu.memref_slice %arg5[%dma_wait3A_132] : memref<6400xi32, #tpu.memory_space<vmem>> -> memref<128xi32, #tpu.memory_space<vmem>>
          %dma_wait3A_134 = arith.constant 0 : i32
          %dma_wait3A_135 = arith.constant 0 : i32
          %dma_wait3A_136 = tpu.memref_slice %arg2[%dma_wait3A_134, %dma_wait3A_135] : memref<100000x128xf32, #tpu.memory_space<hbm>> -> memref<100000x128xf32, #tpu.memory_space<hbm>>
          tpu.wait_indirect_dma semaphore(%arg13 : memref<!tpu.dma_semaphore, #tpu.memory_space<semaphore_mem>>) src(%dma_wait3A_136 : memref<100000x128xf32, #tpu.memory_space<hbm>>) dst(%dma_wait3A_131 : memref<128x128xf32, #tpu.memory_space<vmem>>)
        } else {
        }
        %parallel_loop3A = arith.constant 0 : i32
        %parallel_loop3A_102 = arith.constant 128 : i32
        %parallel_loop3A_103 = arith.constant 1 : i32
        scf.for %parallel_loop3A_127 = %parallel_loop3A to %parallel_loop3A_102 step %parallel_loop3A_103  : i32 {
          %parallel_loop3A_128 = arith.constant 2 : i32
          %parallel_loop3A_129 = arith.index_cast %parallel_loop3A_128 : i32 to index
          %parallel_loop3A_130 = arith.index_cast %parallel_loop3A_127 : i32 to index
          %parallel_loop3A_131 = arith.constant 0 : index
          %parallel_loop3A_132 = tpu.vector_load %arg6[%parallel_loop3A_129, %parallel_loop3A_130, %parallel_loop3A_131] {strides = array<i32>} : memref<3x128x128xf32, #tpu.memory_space<vmem>>, vector<1x1x16xf32>,
          %parallel_loop3A_133 = vector.shape_cast %parallel_loop3A_132 : vector<1x1x16xf32> to vector<16xf32>
          %parallel_loop3A_134 = arith.constant 11.3137083 : f32
          %parallel_loop3A_135 = vector.broadcast %parallel_loop3A_134 : f32 to vector<16xf32>
          %parallel_loop3A_136 = arith.mulf %parallel_loop3A_133, %parallel_loop3A_135 : vector<16xf32>
          %parallel_loop3A_137 = arith.constant 2 : i32
          %parallel_loop3A_138 = arith.index_cast %parallel_loop3A_137 : i32 to index
          %parallel_loop3A_139 = arith.index_cast %parallel_loop3A_127 : i32 to index
          %parallel_loop3A_140 = arith.constant 0 : index
          %parallel_loop3A_141 = tpu.vector_load %arg7[%parallel_loop3A_138, %parallel_loop3A_139, %parallel_loop3A_140] {strides = array<i32>} : memref<3x128x128xf32, #tpu.memory_space<vmem>>, vector<1x1x16xf32>,
          %parallel_loop3A_142 = vector.shape_cast %parallel_loop3A_141 : vector<1x1x16xf32> to vector<16xf32>
          %parallel_loop3A_143 = vector.shape_cast %parallel_loop3A_136 : vector<16xf32> to vector<1x1x16xf32>
          tpu.vector_store %arg7[%parallel_loop3A_138, %parallel_loop3A_139, %parallel_loop3A_140], %parallel_loop3A_143 {strides = array<i32>} : memref<3x128x128xf32, #tpu.memory_space<vmem>>, vector<1x1x16xf32>,
          %parallel_loop3A_144 = arith.constant 2 : i32
          %parallel_loop3A_145 = arith.index_cast %parallel_loop3A_144 : i32 to index
          %parallel_loop3A_146 = arith.index_cast %parallel_loop3A_127 : i32 to index
          %parallel_loop3A_147 = arith.constant 16 : index
          %parallel_loop3A_148 = tpu.vector_load %arg6[%parallel_loop3A_145, %parallel_loop3A_146, %parallel_loop3A_147] {strides = array<i32>} : memref<3x128x128xf32, #tpu.memory_space<vmem>>, vector<1x1x16xf32>,
          %parallel_loop3A_149 = vector.shape_cast %parallel_loop3A_148 : vector<1x1x16xf32> to vector<16xf32>
          %parallel_loop3A_150 = arith.constant 11.3137083 : f32
          %parallel_loop3A_151 = vector.broadcast %parallel_loop3A_150 : f32 to vector<16xf32>
          %parallel_loop3A_152 = arith.mulf %parallel_loop3A_149, %parallel_loop3A_151 : vector<16xf32>
          %parallel_loop3A_153 = arith.constant 2 : i32
          %parallel_loop3A_154 = arith.index_cast %parallel_loop3A_153 : i32 to index
          %parallel_loop3A_155 = arith.index_cast %parallel_loop3A_127 : i32 to index
          %parallel_loop3A_156 = arith.constant 16 : index
          %parallel_loop3A_157 = tpu.vector_load %arg7[%parallel_loop3A_154, %parallel_loop3A_155, %parallel_loop3A_156] {strides = array<i32>} : memref<3x128x128xf32, #tpu.memory_space<vmem>>, vector<1x1x16xf32>,
          %parallel_loop3A_158 = vector.shape_cast %parallel_loop3A_157 : vector<1x1x16xf32> to vector<16xf32>
          %parallel_loop3A_159 = vector.shape_cast %parallel_loop3A_152 : vector<16xf32> to vector<1x1x16xf32>
          tpu.vector_store %arg7[%parallel_loop3A_154, %parallel_loop3A_155, %parallel_loop3A_156], %parallel_loop3A_159 {strides = array<i32>} : memref<3x128x128xf32, #tpu.memory_space<vmem>>, vector<1x1x16xf32>,
          %parallel_loop3A_160 = arith.constant 2 : i32
          %parallel_loop3A_161 = arith.index_cast %parallel_loop3A_160 : i32 to index
          %parallel_loop3A_162 = arith.index_cast %parallel_loop3A_127 : i32 to index
          %parallel_loop3A_163 = arith.constant 32 : index
          %parallel_loop3A_164 = tpu.vector_load %arg6[%parallel_loop3A_161, %parallel_loop3A_162, %parallel_loop3A_163] {strides = array<i32>} : memref<3x128x128xf32, #tpu.memory_space<vmem>>, vector<1x1x16xf32>,
          %parallel_loop3A_165 = vector.shape_cast %parallel_loop3A_164 : vector<1x1x16xf32> to vector<16xf32>
          %parallel_loop3A_166 = arith.constant 11.3137083 : f32
          %parallel_loop3A_167 = vector.broadcast %parallel_loop3A_166 : f32 to vector<16xf32>
          %parallel_loop3A_168 = arith.mulf %parallel_loop3A_165, %parallel_loop3A_167 : vector<16xf32>
          %parallel_loop3A_169 = arith.constant 2 : i32
          %parallel_loop3A_170 = arith.index_cast %parallel_loop3A_169 : i32 to index
          %parallel_loop3A_171 = arith.index_cast %parallel_loop3A_127 : i32 to index
          %parallel_loop3A_172 = arith.constant 32 : index
          %parallel_loop3A_173 = tpu.vector_load %arg7[%parallel_loop3A_170, %parallel_loop3A_171, %parallel_loop3A_172] {strides = array<i32>} : memref<3x128x128xf32, #tpu.memory_space<vmem>>, vector<1x1x16xf32>,
          %parallel_loop3A_174 = vector.shape_cast %parallel_loop3A_173 : vector<1x1x16xf32> to vector<16xf32>
          %parallel_loop3A_175 = vector.shape_cast %parallel_loop3A_168 : vector<16xf32> to vector<1x1x16xf32>
          tpu.vector_store %arg7[%parallel_loop3A_170, %parallel_loop3A_171, %parallel_loop3A_172], %parallel_loop3A_175 {strides = array<i32>} : memref<3x128x128xf32, #tpu.memory_space<vmem>>, vector<1x1x16xf32>,
          %parallel_loop3A_176 = arith.constant 2 : i32
          %parallel_loop3A_177 = arith.index_cast %parallel_loop3A_176 : i32 to index
          %parallel_loop3A_178 = arith.index_cast %parallel_loop3A_127 : i32 to index
          %parallel_loop3A_179 = arith.constant 48 : index
          %parallel_loop3A_180 = tpu.vector_load %arg6[%parallel_loop3A_177, %parallel_loop3A_178, %parallel_loop3A_179] {strides = array<i32>} : memref<3x128x128xf32, #tpu.memory_space<vmem>>, vector<1x1x16xf32>,
          %parallel_loop3A_181 = vector.shape_cast %parallel_loop3A_180 : vector<1x1x16xf32> to vector<16xf32>
          %parallel_loop3A_182 = arith.constant 11.3137083 : f32
          %parallel_loop3A_183 = vector.broadcast %parallel_loop3A_182 : f32 to vector<16xf32>
          %parallel_loop3A_184 = arith.mulf %parallel_loop3A_181, %parallel_loop3A_183 : vector<16xf32>
          %parallel_loop3A_185 = arith.constant 2 : i32
          %parallel_loop3A_186 = arith.index_cast %parallel_loop3A_185 : i32 to index
          %parallel_loop3A_187 = arith.index_cast %parallel_loop3A_127 : i32 to index
          %parallel_loop3A_188 = arith.constant 48 : index
          %parallel_loop3A_189 = tpu.vector_load %arg7[%parallel_loop3A_186, %parallel_loop3A_187, %parallel_loop3A_188] {strides = array<i32>} : memref<3x128x128xf32, #tpu.memory_space<vmem>>, vector<1x1x16xf32>,
          %parallel_loop3A_190 = vector.shape_cast %parallel_loop3A_189 : vector<1x1x16xf32> to vector<16xf32>
          %parallel_loop3A_191 = vector.shape_cast %parallel_loop3A_184 : vector<16xf32> to vector<1x1x16xf32>
          tpu.vector_store %arg7[%parallel_loop3A_186, %parallel_loop3A_187, %parallel_loop3A_188], %parallel_loop3A_191 {strides = array<i32>} : memref<3x128x128xf32, #tpu.memory_space<vmem>>, vector<1x1x16xf32>,
          %parallel_loop3A_192 = arith.constant 2 : i32
          %parallel_loop3A_193 = arith.index_cast %parallel_loop3A_192 : i32 to index
          %parallel_loop3A_194 = arith.index_cast %parallel_loop3A_127 : i32 to index
          %parallel_loop3A_195 = arith.constant 64 : index
          %parallel_loop3A_196 = tpu.vector_load %arg6[%parallel_loop3A_193, %parallel_loop3A_194, %parallel_loop3A_195] {strides = array<i32>} : memref<3x128x128xf32, #tpu.memory_space<vmem>>, vector<1x1x16xf32>,
          %parallel_loop3A_197 = vector.shape_cast %parallel_loop3A_196 : vector<1x1x16xf32> to vector<16xf32>
          %parallel_loop3A_198 = arith.constant 11.3137083 : f32
          %parallel_loop3A_199 = vector.broadcast %parallel_loop3A_198 : f32 to vector<16xf32>
          %parallel_loop3A_200 = arith.mulf %parallel_loop3A_197, %parallel_loop3A_199 : vector<16xf32>
          %parallel_loop3A_201 = arith.constant 2 : i32
          %parallel_loop3A_202 = arith.index_cast %parallel_loop3A_201 : i32 to index
          %parallel_loop3A_203 = arith.index_cast %parallel_loop3A_127 : i32 to index
          %parallel_loop3A_204 = arith.constant 64 : index
          %parallel_loop3A_205 = tpu.vector_load %arg7[%parallel_loop3A_202, %parallel_loop3A_203, %parallel_loop3A_204] {strides = array<i32>} : memref<3x128x128xf32, #tpu.memory_space<vmem>>, vector<1x1x16xf32>,
          %parallel_loop3A_206 = vector.shape_cast %parallel_loop3A_205 : vector<1x1x16xf32> to vector<16xf32>
          %parallel_loop3A_207 = vector.shape_cast %parallel_loop3A_200 : vector<16xf32> to vector<1x1x16xf32>
          tpu.vector_store %arg7[%parallel_loop3A_202, %parallel_loop3A_203, %parallel_loop3A_204], %parallel_loop3A_207 {strides = array<i32>} : memref<3x128x128xf32, #tpu.memory_space<vmem>>, vector<1x1x16xf32>,
          %parallel_loop3A_208 = arith.constant 2 : i32
          %parallel_loop3A_209 = arith.index_cast %parallel_loop3A_208 : i32 to index
          %parallel_loop3A_210 = arith.index_cast %parallel_loop3A_127 : i32 to index
          %parallel_loop3A_211 = arith.constant 80 : index
          %parallel_loop3A_212 = tpu.vector_load %arg6[%parallel_loop3A_209, %parallel_loop3A_210, %parallel_loop3A_211] {strides = array<i32>} : memref<3x128x128xf32, #tpu.memory_space<vmem>>, vector<1x1x16xf32>,
          %parallel_loop3A_213 = vector.shape_cast %parallel_loop3A_212 : vector<1x1x16xf32> to vector<16xf32>
          %parallel_loop3A_214 = arith.constant 11.3137083 : f32
          %parallel_loop3A_215 = vector.broadcast %parallel_loop3A_214 : f32 to vector<16xf32>
          %parallel_loop3A_216 = arith.mulf %parallel_loop3A_213, %parallel_loop3A_215 : vector<16xf32>
          %parallel_loop3A_217 = arith.constant 2 : i32
          %parallel_loop3A_218 = arith.index_cast %parallel_loop3A_217 : i32 to index
          %parallel_loop3A_219 = arith.index_cast %parallel_loop3A_127 : i32 to index
          %parallel_loop3A_220 = arith.constant 80 : index
          %parallel_loop3A_221 = tpu.vector_load %arg7[%parallel_loop3A_218, %parallel_loop3A_219, %parallel_loop3A_220] {strides = array<i32>} : memref<3x128x128xf32, #tpu.memory_space<vmem>>, vector<1x1x16xf32>,
          %parallel_loop3A_222 = vector.shape_cast %parallel_loop3A_221 : vector<1x1x16xf32> to vector<16xf32>
          %parallel_loop3A_223 = vector.shape_cast %parallel_loop3A_216 : vector<16xf32> to vector<1x1x16xf32>
          tpu.vector_store %arg7[%parallel_loop3A_218, %parallel_loop3A_219, %parallel_loop3A_220], %parallel_loop3A_223 {strides = array<i32>} : memref<3x128x128xf32, #tpu.memory_space<vmem>>, vector<1x1x16xf32>,
          %parallel_loop3A_224 = arith.constant 2 : i32
          %parallel_loop3A_225 = arith.index_cast %parallel_loop3A_224 : i32 to index
          %parallel_loop3A_226 = arith.index_cast %parallel_loop3A_127 : i32 to index
          %parallel_loop3A_227 = arith.constant 96 : index
          %parallel_loop3A_228 = tpu.vector_load %arg6[%parallel_loop3A_225, %parallel_loop3A_226, %parallel_loop3A_227] {strides = array<i32>} : memref<3x128x128xf32, #tpu.memory_space<vmem>>, vector<1x1x16xf32>,
          %parallel_loop3A_229 = vector.shape_cast %parallel_loop3A_228 : vector<1x1x16xf32> to vector<16xf32>
          %parallel_loop3A_230 = arith.constant 11.3137083 : f32
          %parallel_loop3A_231 = vector.broadcast %parallel_loop3A_230 : f32 to vector<16xf32>
          %parallel_loop3A_232 = arith.mulf %parallel_loop3A_229, %parallel_loop3A_231 : vector<16xf32>
          %parallel_loop3A_233 = arith.constant 2 : i32
          %parallel_loop3A_234 = arith.index_cast %parallel_loop3A_233 : i32 to index
          %parallel_loop3A_235 = arith.index_cast %parallel_loop3A_127 : i32 to index
          %parallel_loop3A_236 = arith.constant 96 : index
          %parallel_loop3A_237 = tpu.vector_load %arg7[%parallel_loop3A_234, %parallel_loop3A_235, %parallel_loop3A_236] {strides = array<i32>} : memref<3x128x128xf32, #tpu.memory_space<vmem>>, vector<1x1x16xf32>,
          %parallel_loop3A_238 = vector.shape_cast %parallel_loop3A_237 : vector<1x1x16xf32> to vector<16xf32>
          %parallel_loop3A_239 = vector.shape_cast %parallel_loop3A_232 : vector<16xf32> to vector<1x1x16xf32>
          tpu.vector_store %arg7[%parallel_loop3A_234, %parallel_loop3A_235, %parallel_loop3A_236], %parallel_loop3A_239 {strides = array<i32>} : memref<3x128x128xf32, #tpu.memory_space<vmem>>, vector<1x1x16xf32>,
          %parallel_loop3A_240 = arith.constant 2 : i32
          %parallel_loop3A_241 = arith.index_cast %parallel_loop3A_240 : i32 to index
          %parallel_loop3A_242 = arith.index_cast %parallel_loop3A_127 : i32 to index
          %parallel_loop3A_243 = arith.constant 112 : index
          %parallel_loop3A_244 = tpu.vector_load %arg6[%parallel_loop3A_241, %parallel_loop3A_242, %parallel_loop3A_243] {strides = array<i32>} : memref<3x128x128xf32, #tpu.memory_space<vmem>>, vector<1x1x16xf32>,
          %parallel_loop3A_245 = vector.shape_cast %parallel_loop3A_244 : vector<1x1x16xf32> to vector<16xf32>
          %parallel_loop3A_246 = arith.constant 11.3137083 : f32
          %parallel_loop3A_247 = vector.broadcast %parallel_loop3A_246 : f32 to vector<16xf32>
          %parallel_loop3A_248 = arith.mulf %parallel_loop3A_245, %parallel_loop3A_247 : vector<16xf32>
          %parallel_loop3A_249 = arith.constant 2 : i32
          %parallel_loop3A_250 = arith.index_cast %parallel_loop3A_249 : i32 to index
          %parallel_loop3A_251 = arith.index_cast %parallel_loop3A_127 : i32 to index
          %parallel_loop3A_252 = arith.constant 112 : index
          %parallel_loop3A_253 = tpu.vector_load %arg7[%parallel_loop3A_250, %parallel_loop3A_251, %parallel_loop3A_252] {strides = array<i32>} : memref<3x128x128xf32, #tpu.memory_space<vmem>>, vector<1x1x16xf32>,
          %parallel_loop3A_254 = vector.shape_cast %parallel_loop3A_253 : vector<1x1x16xf32> to vector<16xf32>
          %parallel_loop3A_255 = vector.shape_cast %parallel_loop3A_248 : vector<16xf32> to vector<1x1x16xf32>
          tpu.vector_store %arg7[%parallel_loop3A_250, %parallel_loop3A_251, %parallel_loop3A_252], %parallel_loop3A_255 {strides = array<i32>} : memref<3x128x128xf32, #tpu.memory_space<vmem>>, vector<1x1x16xf32>,
        } {sc.loop_unroll_factor = 4 : i64, sc.parallel_access}
        %add3A_104 = arith.constant 3 : i32
        %add3A_105 = arith.addi %add3A_82, %add3A_104 : i32
        %lt3A_106 = arith.constant 50 : i32
        %lt3A_107 = arith.cmpi slt, %add3A_105, %lt3A_106 : i32
        %convert_element_type3A_108 = arith.extui %lt3A_107 : i1 to i32
        %cond3A_109 = arith.constant 0 : i32
        %cond3A_110 = arith.cmpi ne, %convert_element_type3A_108, %cond3A_109 : i32
        scf.if %cond3A_110 {
          %add3A_127 = arith.constant 3 : i32
          %add3A_128 = arith.addi %add3A_82, %add3A_127 : i32
          %mul3A_129 = arith.constant 128 : i32
          %mul3A_130 = arith.muli %add3A_128, %mul3A_129 : i32
          %dma_start3A_131 = arith.constant 2 : i32
          %dma_start3A_132 = arith.constant 0 : i32
          %dma_start3A_133 = arith.constant 0 : i32
          %dma_start3A_134 = tpu.memref_slice %arg6[%dma_start3A_131, %dma_start3A_132, %dma_start3A_133] : memref<3x128x128xf32, #tpu.memory_space<vmem>> -> memref<1x128x128xf32, #tpu.memory_space<vmem>>
          %dma_start3A_135 = tpu.memref_squeeze %dma_start3A_134 : memref<1x128x128xf32, #tpu.memory_space<vmem>> -> memref<128x128xf32, #tpu.memory_space<vmem>>
          %dma_start3A_136 = tpu.memref_slice %arg5[%mul3A_130] : memref<6400xi32, #tpu.memory_space<vmem>> -> memref<128xi32, #tpu.memory_space<vmem>>
          %dma_start3A_137 = arith.constant 0 : i32
          %dma_start3A_138 = arith.constant 0 : i32
          %dma_start3A_139 = tpu.memref_slice %arg2[%dma_start3A_137, %dma_start3A_138] : memref<100000x128xf32, #tpu.memory_space<hbm>> -> memref<100000x128xf32, #tpu.memory_space<hbm>>
          tpu.enqueue_indirect_dma source(%dma_start3A_139 : memref<100000x128xf32, #tpu.memory_space<hbm>>) target(%dma_start3A_135 : memref<128x128xf32, #tpu.memory_space<vmem>>) offsets(%dma_start3A_136 : memref<128xi32, #tpu.memory_space<vmem>>) semaphore(%arg10 : memref<!tpu.dma_semaphore, #tpu.memory_space<semaphore_mem>>)
        } else {
        }
        %mul3A_111 = arith.constant 128 : i32
        %mul3A_112 = arith.muli %add3A_82, %mul3A_111 : i32
        %add3A_113 = arith.addi %mul3A_2, %mul3A_112 : i32
        %dma_start3A_114 = arith.constant 2 : i32
        %dma_start3A_115 = arith.constant 0 : i32
        %dma_start3A_116 = arith.constant 0 : i32
        %dma_start3A_117 = tpu.memref_slice %arg7[%dma_start3A_114, %dma_start3A_115, %dma_start3A_116] : memref<3x128x128xf32, #tpu.memory_space<vmem>> -> memref<1x128x128xf32, #tpu.memory_space<vmem>>
        %dma_start3A_118 = tpu.memref_squeeze %dma_start3A_117 : memref<1x128x128xf32, #tpu.memory_space<vmem>> -> memref<128x128xf32, #tpu.memory_space<vmem>>
        %dma_start3A_119 = arith.constant 0 : i32
        %dma_start3A_120 = tpu.memref_slice %arg4[%add3A_113, %dma_start3A_119] : memref<204800x128xf32, #tpu.memory_space<hbm>> -> memref<128x128xf32, #tpu.memory_space<hbm>>
        %dma_start3A_121 = arith.constant 0 : i32
        %dma_start3A_122 = tpu.memref_slice %arg4[%add3A_113, %dma_start3A_121] : memref<204800x128xf32, #tpu.memory_space<hbm>> -> memref<128x128xf32, #tpu.memory_space<hbm>>
        %dma_start3A_123 = arith.constant 0 : i32
        %dma_start3A_124 = arith.constant 0 : i32
        %dma_start3A_125 = tpu.memref_slice %arg7[%dma_start3A_114, %dma_start3A_123, %dma_start3A_124] : memref<3x128x128xf32, #tpu.memory_space<vmem>> -> memref<1x128x128xf32, #tpu.memory_space<vmem>>
        %dma_start3A_126 = tpu.memref_squeeze %dma_start3A_125 : memref<1x128x128xf32, #tpu.memory_space<vmem>> -> memref<128x128xf32, #tpu.memory_space<vmem>>
        tpu.enqueue_dma source(%dma_start3A_126 : memref<128x128xf32, #tpu.memory_space<vmem>>) target(%dma_start3A_122 : memref<128x128xf32, #tpu.memory_space<hbm>>) target_semaphore(%arg13 : memref<!tpu.dma_semaphore, #tpu.memory_space<semaphore_mem>>)
      } else {
      }
    }
    %scan3A_35 = arith.constant 17 : i32
    %dma_wait3A = arith.constant 0 : i32
    %dma_wait3A_36 = arith.constant 0 : i32
    %dma_wait3A_37 = arith.constant 0 : i32
    %dma_wait3A_38 = tpu.memref_slice %arg7[%dma_wait3A, %dma_wait3A_36, %dma_wait3A_37] : memref<3x128x128xf32, #tpu.memory_space<vmem>> -> memref<1x128x128xf32, #tpu.memory_space<vmem>>
    %dma_wait3A_39 = tpu.memref_squeeze %dma_wait3A_38 : memref<1x128x128xf32, #tpu.memory_space<vmem>> -> memref<128x128xf32, #tpu.memory_space<vmem>>
    %dma_wait3A_40 = arith.constant 0 : i32
    %dma_wait3A_41 = tpu.memref_slice %arg5[%dma_wait3A_40] : memref<6400xi32, #tpu.memory_space<vmem>> -> memref<128xi32, #tpu.memory_space<vmem>>
    %dma_wait3A_42 = arith.constant 0 : i32
    %dma_wait3A_43 = arith.constant 0 : i32
    %dma_wait3A_44 = tpu.memref_slice %arg2[%dma_wait3A_42, %dma_wait3A_43] : memref<100000x128xf32, #tpu.memory_space<hbm>> -> memref<100000x128xf32, #tpu.memory_space<hbm>>
    tpu.wait_indirect_dma semaphore(%arg11 : memref<!tpu.dma_semaphore, #tpu.memory_space<semaphore_mem>>) src(%dma_wait3A_44 : memref<100000x128xf32, #tpu.memory_space<hbm>>) dst(%dma_wait3A_39 : memref<128x128xf32, #tpu.memory_space<vmem>>)
    %dma_wait3A_45 = arith.constant 1 : i32
    %dma_wait3A_46 = arith.constant 0 : i32
    %dma_wait3A_47 = arith.constant 0 : i32
    %dma_wait3A_48 = tpu.memref_slice %arg7[%dma_wait3A_45, %dma_wait3A_46, %dma_wait3A_47] : memref<3x128x128xf32, #tpu.memory_space<vmem>> -> memref<1x128x128xf32, #tpu.memory_space<vmem>>
    %dma_wait3A_49 = tpu.memref_squeeze %dma_wait3A_48 : memref<1x128x128xf32, #tpu.memory_space<vmem>> -> memref<128x128xf32, #tpu.memory_space<vmem>>
    %dma_wait3A_50 = arith.constant 0 : i32
    %dma_wait3A_51 = tpu.memref_slice %arg5[%dma_wait3A_50] : memref<6400xi32, #tpu.memory_space<vmem>> -> memref<128xi32, #tpu.memory_space<vmem>>
    %dma_wait3A_52 = arith.constant 0 : i32
    %dma_wait3A_53 = arith.constant 0 : i32
    %dma_wait3A_54 = tpu.memref_slice %arg2[%dma_wait3A_52, %dma_wait3A_53] : memref<100000x128xf32, #tpu.memory_space<hbm>> -> memref<100000x128xf32, #tpu.memory_space<hbm>>
    tpu.wait_indirect_dma semaphore(%arg12 : memref<!tpu.dma_semaphore, #tpu.memory_space<semaphore_mem>>) src(%dma_wait3A_54 : memref<100000x128xf32, #tpu.memory_space<hbm>>) dst(%dma_wait3A_49 : memref<128x128xf32, #tpu.memory_space<vmem>>)
    %dma_wait3A_55 = arith.constant 2 : i32
    %dma_wait3A_56 = arith.constant 0 : i32
    %dma_wait3A_57 = arith.constant 0 : i32
    %dma_wait3A_58 = tpu.memref_slice %arg7[%dma_wait3A_55, %dma_wait3A_56, %dma_wait3A_57] : memref<3x128x128xf32, #tpu.memory_space<vmem>> -> memref<1x128x128xf32, #tpu.memory_space<vmem>>
    %dma_wait3A_59 = tpu.memref_squeeze %dma_wait3A_58 : memref<1x128x128xf32, #tpu.memory_space<vmem>> -> memref<128x128xf32, #tpu.memory_space<vmem>>
    %dma_wait3A_60 = arith.constant 0 : i32
    %dma_wait3A_61 = tpu.memref_slice %arg5[%dma_wait3A_60] : memref<6400xi32, #tpu.memory_space<vmem>> -> memref<128xi32, #tpu.memory_space<vmem>>
    %dma_wait3A_62 = arith.constant 0 : i32
    %dma_wait3A_63 = arith.constant 0 : i32
    %dma_wait3A_64 = tpu.memref_slice %arg2[%dma_wait3A_62, %dma_wait3A_63] : memref<100000x128xf32, #tpu.memory_space<hbm>> -> memref<100000x128xf32, #tpu.memory_space<hbm>>
    tpu.wait_indirect_dma semaphore(%arg13 : memref<!tpu.dma_semaphore, #tpu.memory_space<semaphore_mem>>) src(%dma_wait3A_64 : memref<100000x128xf32, #tpu.memory_space<hbm>>) dst(%dma_wait3A_59 : memref<128x128xf32, #tpu.memory_space<vmem>>)
    return
  }
}

</mosaic_0001>

<sc_bundles>
// kernel: kernel.3.cloned.1.call-start
scs
__scs_entry_jumppad:
0x0: {  	(pc) =	sbr.rel $0x88, $3  }
0x1: {  	(tag) =	ssettag $0x0;
	lr =	simm.s32 $0x1  }
0x2: {  	[smem:$0x3F9F] =	sst lr;
	_ =	strace $0xD0000000  }
0x3: {  	_ = 	snop  }
0x4: {  	_ = 	snop  }
0x5: {  	_ = 	snop  }
0x6: {  	_ = 	snop  }
0x7: {  	_ = 	snop  }
__scs_overlays_trampoline_lowered:
0x8: {  	[smem:$0x3FAE] =	sst s0  }
0x9: {  	[smem:$0x3FAF] =	sst s1  }
0xa: {  	[smem:$0x3FB0] =	sst s2  }
0xb: {  	[smem:$0x3FB1] =	sst s3  }
0xc: {  	[smem:$0x3FB2] =	sst s4  }
0xd: {  	[smem:$0x3FB3] =	sst s5  }
0xe: {  	[smem:$0x3FB4] =	sst s6  }
0xf: {  	[smem:$0x3FB5] =	sst s7  }
0x10: {  	[smem:$0x3FB6] =	sst s8  }
0x11: {  	[smem:$0x3FB7] =	sst s9;
	s0 =	simm.s32 @!p0 $0x0  }
0x12: {  	s1 =	sld [smem:$0x3F9D];
	s0 =	simm.s32 @p0 $0x1  }
0x13: {  	[smem:$0x3FB8] =	sst s0;
	s0 =	simm.s32 @!p1 $0x0  }
0x14: {  	s2 =	sld [smem:$0x3F9C];
	s0 =	simm.s32 @p1 $0x1  }
0x15: {  	[smem:$0x3FB9] =	sst s0;
	s0 =	simm.s32 @!p2 $0x0  }
0x16: {  	s3 =	sld [smem:$0x3FDB];
	s0 =	simm.s32 @p2 $0x1  }
0x17: {  	s4 =	simm.s32 $0x1BF5;
	[smem:$0x3FBB] =	sst s0  }
0x18: {  	s0 =	sld [smem:$0x3F9E];
	_ =	swait.ge [sflag:s4], $0x0  }
0x19: {  	s7 =	sld [smem:$0x3F9F]  }
0x1a: {  	s8 =	sadd.s32 $0xFFFFE003, lr  }
0x1b: {  	s9 =	sadd.s32 $0xFFFFFEF7, lr;
	s5 =	simm.s32 $0xFFFFFFFF;
	p2 =	slt.u32 s8, $0xFFFFF086  }
0x1c: {  	p1 =	slt.u32 s9, $0xF7A;
	s5 =	simm.s32 @!p2 $0x0  }
0x1d: {  	s5 =	simm.s32 @p1 $0x1;
	p0 =	seq.s32 s7, s2  }
0x1e: {  	s7 =	smul.u32 @!p0 $0xF7A, s2;
	p2 =	seq.s32 @!p0 s5, $0x0  }
0x1f: {  	s9 =	smul.u32 $0xF7A, s1;
	s8 =	simm.s32 @!p0 $0x1BF5;
	p2 =	por !p2, p0  }
0x20: {  	[sflag:s8] =	ssyncset.s32 @!p0 $0xFFFFF086;
	s6 =	sadd.s32 @!p0 s3, s7;
	s7 =	simm.s32 @!p0 $0x108  }
0x21: {  	s3 =	sadd.s32 s3, s9;
	s6 =	sadd.s32 @!p0 $0x88, s6;
	s7 =	simm.s32 @p2 $0x1082  }
0x22: {  	[simem:s7], [sflag:s8] =	dma.local @!p0 [hbm:s6], $0xF7A  }
0x23: {  	s9 =	sor.u32 $0xD0000000, s2;
	s6 =	simm.s32 $0x108;
	_ =	swait.ge @!p0 [sflag:s8], $0x0  }
0x24: {  	s3 =	sadd.s32 $0x88, s3;
	s6 =	simm.s32 @!p1 $0x1082;
	[sflag:s4] =	ssyncset.s32 $0xFFFFF086  }
0x25: {  	[simem:s6], [sflag:s4] =	dma.local [hbm:s3], $0xF7A  }
0x26: {  	[smem:$0x3F9F] =	sst s1;
	(tag) =	ssettag s2;
	_ =	strace s9  }
0x27: {  	s1 =	sld [smem:$0x3FAF]  }
0x28: {  	s2 =	sld [smem:$0x3FB0]  }
0x29: {  	s4 =	sld [smem:$0x3FB2]  }
0x2a: {  	p0 =	seq.s32 s5, $0x0;
	s5 =	sld [smem:$0x3FB3]  }
0x2b: {  	s6 =	sld [smem:$0x3FB4]  }
0x2c: {  	s7 =	sld [smem:$0x3FB5]  }
0x2d: {  	s3 =	simm.s32 $0x108;
	s8 =	sld [smem:$0x3FB6]  }
0x2e: {  	s3 =	simm.s32 @!p0 $0x1082;
	s9 =	sld [smem:$0x3FB7]  }
0x2f: {  	lr =	sadd.s32 s0, s3;
	s0 =	sld [smem:$0x3FAE]  }
0x30: {  	s3 =	sld [smem:$0x3FB1]  }
0x31: {  	[smem:$0x3FBA] =	sst s10  }
0x32: {  	s10 =	sld [smem:$0x3FB8];
	_ =	sdelay $0x3  }
0x33: {  	p0 =	seq.s32 s10, $0x1;
	s10 =	sld [smem:$0x3FBA];
	_ =	sdelay $0x3  }
0x34: {  	[smem:$0x3FBA] =	sst s10  }
0x35: {  	s10 =	sld [smem:$0x3FB9];
	_ =	sdelay $0x3  }
0x36: {  	p1 =	seq.s32 s10, $0x1;
	s10 =	sld [smem:$0x3FBA];
	_ =	sdelay $0x3  }
0x37: {  	[smem:$0x3FBA] =	sst s10  }
0x38: {  	s10 =	sld [smem:$0x3FBB]  }
0x39: {  	_ = 	snop;
	(pc) =	sbr.ind lr, $3  }
0x3a: {  	_ = 	snop  }
0x3b: {  	_ = 	snop  }
0x3c: {  	p2 =	seq.s32 s10, $0x1;
	s10 =	sld [smem:$0x3FBA]  }
0x3d: {  	_ =	shalt  }
0x3e: {  	_ =	shalt  }
0x3f: {  	_ =	shalt  }
0x40: {  	_ =	shalt  }
0x41: {  	_ =	shalt  }
0x42: {  	_ =	shalt  }
0x43: {  	_ =	shalt  }
0x44: {  	_ =	shalt  }
0x45: {  	_ =	shalt  }
0x46: {  	_ =	shalt  }
0x47: {  	_ =	shalt  }
0x48: {  	_ =	shalt  }
0x49: {  	_ =	shalt  }
0x4a: {  	_ =	shalt  }
0x4b: {  	_ =	shalt  }
0x4c: {  	_ =	shalt  }
0x4d: {  	_ =	shalt  }
0x4e: {  	_ =	shalt  }
0x4f: {  	_ =	shalt  }
0x50: {  	_ =	shalt  }
0x51: {  	_ =	shalt  }
0x52: {  	_ =	shalt  }
0x53: {  	_ =	shalt  }
0x54: {  	_ =	shalt  }
0x55: {  	_ =	shalt  }
0x56: {  	_ =	shalt  }
0x57: {  	_ =	shalt  }
0x58: {  	_ =	shalt  }
0x59: {  	_ =	shalt  }
0x5a: {  	_ =	shalt  }
0x5b: {  	_ =	shalt  }
0x5c: {  	_ =	shalt  }
0x5d: {  	_ =	shalt  }
0x5e: {  	_ =	shalt  }
0x5f: {  	_ =	shalt  }
0x60: {  	_ =	shalt  }
0x61: {  	_ =	shalt  }
0x62: {  	_ =	shalt  }
0x63: {  	_ =	shalt  }
0x64: {  	_ =	shalt  }
0x65: {  	_ =	shalt  }
0x66: {  	_ =	shalt  }
0x67: {  	_ =	shalt  }
0x68: {  	_ =	shalt  }
0x69: {  	_ =	shalt  }
0x6a: {  	_ =	shalt  }
0x6b: {  	_ =	shalt  }
0x6c: {  	_ =	shalt  }
0x6d: {  	_ =	shalt  }
0x6e: {  	_ =	shalt  }
0x6f: {  	_ =	shalt  }
0x70: {  	_ =	shalt  }
0x71: {  	_ =	shalt  }
0x72: {  	_ =	shalt  }
0x73: {  	_ =	shalt  }
0x74: {  	_ =	shalt  }
0x75: {  	_ =	shalt  }
0x76: {  	_ =	shalt  }
0x77: {  	_ =	shalt  }
0x78: {  	_ =	shalt  }
0x79: {  	_ =	shalt  }
0x7a: {  	_ =	shalt  }
0x7b: {  	_ =	shalt  }
0x7c: {  	_ =	shalt  }
0x7d: {  	_ =	shalt  }
0x7e: {  	_ =	shalt  }
0x7f: {  	_ =	shalt  }
0x80: {  	_ =	shalt  }
0x81: {  	_ =	shalt  }
0x82: {  	_ =	shalt  }
0x83: {  	_ =	shalt  }
0x84: {  	_ =	shalt  }
0x85: {  	_ =	shalt  }
0x86: {  	_ =	shalt  }
0x87: {  	_ =	shalt  }
.Lfunc_end0:
.L_simem_size_0:
called_computation_lowered:
.L_overlay_start_0:
0x88: {  	s2 =	sld [smem:$0x3FD9]  }
0x89: {  	s3 =	sld [smem:$0x3FFE];
	_ =	sdelay $0x1  }
0x8a: {  	s1 =	srdreg.scid  }
0x8b: {  	s0 =	sand.u32 $0x1, s1  }
0x8c: {  	s17 =	sshll.u32 s0, $0xA;
	s2 =	sadd.s32 s3, s2  }
0x8d: {  	s2 =	sadd.s32 s2, s17  }
0x8e: {  	[smem:$0x3FC6] =	sst s2  }
0x8f: {  	_ = 	snop  }
0x90: {  	s2 =	sld [smem:$0x3FC8]  }
0x91: {  	s18 =	sld [smem:$0x3FD0];
	(tm) =	ssettm $0x1  }
0x92: {  	s4 =	sld [smem:$0x3FFB];
	_ =	sdelay $0x3  }
0x93: {  	_ =	strace s4  }
0x94: {  	s4 =	sld [smem:$0x3FFC];
	_ =	sdelay $0x3  }
0x95: {  	_ =	strace s4  }
0x96: {  	s4 =	sld [smem:$0x3FFD];
	_ =	sdelay $0x3  }
0x97: {  	_ =	strace s4  }
0x98: {  	_ =	strace $0x8FFFFFFF  }
0x99: {  	s19 =	sld [smem:$0x3FDB];
	_ =	sdelay $0x1  }
0x9a: {  	s5 =	simm.s32 $_scs_section_size  }
0x9b: {  	s6 =	simm.s32 $_size__tile_overlayer_lowered;
	s7 =	simm.s32 $_tile_overlayer_lowered  }
0x9c: {  	s22 =	simm.s32 $0x1BFF;
	s21 =	sshll.u32 s7, $0x1;
	s4 =	sadd.s32 s5, s19  }
0x9d: {  	s8 =	simm.s32 $0x0;
	s20 =	sshll.u32 s6, $0x1;
	s6 =	sadd.s32 s21, s4  }
0x9e: {  	[timem:s8], [sflag:s22] =	dma.local [hbm:s6], s20  }
0x9f: {  	_ =	swait.ge [sflag:s22], s20  }
0xa0: {  	s5 =	ssub.s32 $0x0, s20;
	[sflag:s22] =	ssyncset.done $0x0  }
0xa1: {  	[sflag:s22] =	ssyncadd.s32 s5;
	_ =	sdelay $0x1  }
0xa2: {  	s23 =	simm.s32 $0x1B8B  }
0xa3: {  	_ =	swait.ge [sflag:s23], $0x1  }
0xa4: {  	[sflag:s23] =	ssyncset.done $0x0  }
0xa5: {  	s25 =	simm.s32 $0x1B8E;
	s24 =	sld [smem:$0x3FFE];
	[sflag:s23] =	ssyncadd.s32 $0xFFFFFFFF  }
0xa6: {  	s26 =	simm.s32 $execute0_lowered;
	[smem:$0x3FD2] =	sst s25  }
0xa7: {  	s6 =	sshll.u32 s26, $0x1;
	_ =	strace $0x80000046;
	[dreg:$0x1] =	wrdreg $0xFFFFFFFF  }
0xa8: {  	s28 =	simm.s32 $_size_execute0_lowered;
	s4 =	sadd.s32 s4, s6;
	[dreg:$0x0] =	wrdreg $0x0  }
0xa9: {  	s6 =	sshll.u32 s28, $0x1;
	[dreg:$0x2] =	wrdreg s4  }
0xaa: {  	[dreg:$0x3] =	wrdreg s6  }
0xab: {  	[dreg:$0x4] =	wrdreg $0xC0  }
0xac: {  	_ =	task [dreg:s8], $0x5FFFF  }
0xad: {  	[dreg:$0x1] =	wrdreg $0xFFFFFFFF  }
0xae: {  	[dreg:$0x0] =	wrdreg $0x60  }
0xaf: {  	[dreg:$0x2] =	wrdreg s2  }
0xb0: {  	[dreg:$0x3] =	wrdreg s24  }
0xb1: {  	[dreg:$0x4] =	wrdreg s18  }
0xb2: {  	[dreg:$0x5] =	wrdreg $0x9  }
0xb3: {  	_ =	task.clear_ibuf [dreg:s8], $0x6FFFF;
	_ =	strace $0x90000046  }
0xb4: {  	s29 =	simm.s32 $0x9;
	_ =	strace $0x80000048  }
0xb5: {  	_ =	swait.ge [sflag:s29], $0x1  }
0xb6: {  	[sflag:s29] =	ssyncadd.s32 $0xFFFFFFFF  }
0xb7: {  	_ =	strace $0x90000048  }
0xb8: {  	_ =	sfence  }
0xb9: {  	s30 =	sld [smem:$0x0];
	_ =	sdelay $0x2  }
0xba: {  	s31 =	sshll.u32 s1, $0xD;
	s1 =	sshrl.u32 s1, $0x2  }
0xbb: {  	s3 =	sand.u32 $0x4000, s31;
	s1 =	sadd.s32 s1, s30  }
0xbc: {  	s0 =	sor.u32 s3, s0;
	s1 =	sshll.u32 s1, $0x11  }
0xbd: {  	s0 =	sor.u32 s1, s0  }
0xbe: {  	s0 =	sadd.s32 $0x8F2B, s0  }
0xbf: {  	[sflag:s0] =	ssyncadd.remote.s32 $0x1  }
0xc0: {  	_ =	sfence.sel $0xFFFF  }
0xc1: {  	[dreg:$0x0] =	wrdreg $0xFFFFFFFF;
	(pc) =	sbr.abs _section_cstart, $3  }
0xc2: {  	[dreg:$0x1] =	wrdreg $0xFFFFFFFF  }
0xc3: {  	_ =	task.clear_ibuf [dreg:s8], $0x2FFFF;
	_ =	strace $0x9FFFFFFF  }
0xc4: {  	(tm) =	ssettm $0x7FFFFFFF  }
0xc5: {  	_ =	shalt  }
tec
execute0_lowered:
.L_overlay_start_1:
0x0: {  	(tag) =	ssettag $0x1  }
0x1: {  	s1 =	rddreg [dreg:$0x0];
	s0 =	srdreg.scid  }
0x2: {  	s3 =	stileid.u32;
	s2 =	rddreg [dreg:$0x1];
	s11 =	simm.s32 $0x7  }
0x3: {  	s12 =	simm.s32 $0x80;
	s14 =	simm.s32 $0x5900;
	s15 =	simm.s32 $0x100  }
0x4: {  	s16 =	simm.s32 $0x9900;
	s17 =	simm.s32 $0x1;
	s18 =	simm.s32 $0xD900  }
0x5: {  	s19 =	simm.s32 $0x2;
	s20 =	simm.s32 $0x11900;
	s21 =	simm.s32 $0x4  }
0x6: {  	s22 =	simm.s32 $0x5;
	s0 =	sand.u32 $0x1, s0;
	s4 =	sshll.u32 s3, $0x1  }
0x7: {  	s23 =	simm.s32 $0x6;
	s24 =	simm.s32 $0x3;
	s6 =	sor.u32 s0, s4  }
0x8: {  	s25 =	simm.s32 $0x15900;
	s26 =	simm.s32 $0x0;
	s5 =	smul.u32 $0x1900, s6  }
0x9: {  	s3 =	rddreg [dreg:$0x2];
	s4 =	simm.s32 $0x0;
	s8 =	smul.u32 $0xC8000, s6  }
.Ltmp0:
0xa: {  	s0 =	ssub.s32 $0x2, s0;
	[smem:$0x7FF] =	sst s4;
	(pc) =	sbr.rel .LBB2_1-.Ltmp0, $4  }
0xb: {  	s30 =	sshrl.u32 s0, $0x1;
	_ =	strace $0x80000047;
	s7 =	sshrl.u32 s5, $0x3  }
0xc: {  	s0 =	ssub.s32 s0, s30;
	s31 =	sshrl.u32 s8, $0x3;
	s2 =	sadd.s32 s7, s2  }
0xd: {  	s9 =	smax.u32 s0, $0x1;
	s6 =	sadd.s32 $0x400, s2;
	s2 =	sadd.s32 s3, s31  }
0xe: {  	s7 =	sor.u32 $0x4000, s8;
	s8 =	sadd.s32 $0x8000, s8;
	s10 =	sadd.s32 $0x18800, s2  }
.LBB2_12:
0xf: {  	[hbm4b:s10+s4] =	stream.linear.scatter [tilespmem:s20], [sflag:$0x5], $0x4000, $0x38;
	[tilespmem:$0x19900] =	vst v63  }
.LBB2_10:
0x10: {  	_ =	swait.ge [sflag:s21], $0x4000  }
0x11: {  	[sflag:s21] =	ssyncset.done $0x0  }
0x12: {  	s26 =	sadd.s32 $0x1, s26;
	[sflag:s21] =	ssyncadd.s32 $0xFFFFC000  }
0x13: {  	p0 =	sne.s32 s26, s9;
	_ =	swait.ge [sflag:s22], $0x4000  }
.Ltmp1:
0x14: {  	[sflag:s22] =	ssyncset.done $0x0;
	(pc) =	sbr.rel @!p0 .LBB2_11-.Ltmp1, $4  }
0x15: {  	[sflag:s22] =	ssyncadd.s32 $0xFFFFC000  }
0x16: {  	_ =	swait.ge [sflag:s23], $0x4000  }
0x17: {  	[sflag:s23] =	ssyncset.done $0x0  }
0x18: {  	[sflag:s23] =	ssyncadd.s32 $0xFFFFC000  }
.LBB2_1:
0x19: {  	[tilespmem:s4], [sflag:$0x7] =	stream.linear.gather [hbm4b:s6+s4], $0x1900, $0x38;
	[tilespmem:$0x19900] =	vst v63  }
0x1a: {  	_ =	swait.ge [sflag:s11], $0x1900  }
0x1b: {  	[sflag:s11] =	ssyncset.done $0x0  }
0x1c: {  	s0 =	simm.s32 $0x1900;
	[sflag:s11] =	ssyncadd.s32 $0xFFFFE700  }
0x1d: {  	[tilespmem:s0], [sflag:$0x1] =	stream.indirect.gather [hbm4b:s1+s12], $0x80, s4, s12, $0xb8;
	[tilespmem:$0x19900] =	vst v63  }
0x1e: {  	_ = 	snop  }
0x1f: {  	[tilespmem:s14], [sflag:$0x2] =	stream.indirect.gather [hbm4b:s1+s12], $0x80, s12, s12, $0xb8;
	[tilespmem:$0x19900] =	vst v63  }
0x20: {  	s28 =	simm.s32 $0x0  }
0x21: {  	[tilespmem:s16], [sflag:$0x3] =	stream.indirect.gather [hbm4b:s1+s12], $0x80, s15, s12, $0xb8;
	[tilespmem:$0x19900] =	vst v63  }
.LBB2_2:
0x22: {  	_ =	swait.ge [sflag:s17], $0x4000  }
0x23: {  	p0 =	seq.s32 s28, $0x0;
	[sflag:s17] =	ssyncset.done $0x0  }
0x24: {  	s0 =	simm.s32 @!p0 $0x4;
	[sflag:s17] =	ssyncadd.s32 $0xFFFFC000  }
0x25: {  	_ =	swait.ge @!p0 [sflag:s0], $0x4000  }
0x26: {  	[sflag:s0] =	ssyncset.done @!p0 $0x0  }
0x27: {  	s13 =	simm.s32 $0x1A00;
	[sflag:s0] =	ssyncadd.s32 @!p0 $0xFFFFC000  }
0x28: {  	v0 =	vld [tilespmem:s13+$0x80];
	_ =	sdelay $0x3  }
0x29: {  	v1 =	vld [tilespmem:s13+$0xFFFFFF00]  }
0x2a: {  	v2 =	vld [tilespmem:s13+$0xFFFFFF80];
	v0 =	vmul.f32 $1.131370830e+01, v0  }
0x2b: {  	s29 =	simm.s32 $0xDA00;
	v3 =	vld [tilespmem:s13+$0x0]  }
0x2c: {  	[tilespmem:s29+$0x80] =	vst v0  }
0x2d: {  	v0 =	vld [tilespmem:s13+$0x90]  }
0x2e: {  	v1 =	vmul.f32 $1.131370830e+01, v1  }
0x2f: {  	v2 =	vmul.f32 $1.131370830e+01, v2  }
0x30: {  	v3 =	vmul.f32 $1.131370830e+01, v3;
	[tilespmem:s29+$0xFFFFFF00] =	vst v1  }
0x31: {  	[tilespmem:s29+$0xFFFFFF80] =	vst v2;
	v1 =	vld [tilespmem:s13+$0xFFFFFF10]  }
0x32: {  	[tilespmem:s29+$0x0] =	vst v3;
	v2 =	vld [tilespmem:s13+$0xFFFFFF90];
	v0 =	vmul.f32 $1.131370830e+01, v0  }
0x33: {  	v3 =	vld [tilespmem:s13+$0x10]  }
0x34: {  	[tilespmem:s29+$0x90] =	vst v0  }
0x35: {  	v0 =	vld [tilespmem:s13+$0xA0]  }
0x36: {  	v1 =	vmul.f32 $1.131370830e+01, v1  }
0x37: {  	v2 =	vmul.f32 $1.131370830e+01, v2  }
0x38: {  	v3 =	vmul.f32 $1.131370830e+01, v3;
	[tilespmem:s29+$0xFFFFFF10] =	vst v1  }
0x39: {  	[tilespmem:s29+$0xFFFFFF90] =	vst v2;
	v1 =	vld [tilespmem:s13+$0xFFFFFF20]  }
0x3a: {  	[tilespmem:s29+$0x10] =	vst v3;
	v2 =	vld [tilespmem:s13+$0xFFFFFFA0];
	v0 =	vmul.f32 $1.131370830e+01, v0  }
0x3b: {  	v3 =	vld [tilespmem:s13+$0x20]  }
0x3c: {  	[tilespmem:s29+$0xA0] =	vst v0  }
0x3d: {  	v0 =	vld [tilespmem:s13+$0xB0]  }
0x3e: {  	v1 =	vmul.f32 $1.131370830e+01, v1  }
0x3f: {  	v2 =	vmul.f32 $1.131370830e+01, v2  }
0x40: {  	v3 =	vmul.f32 $1.131370830e+01, v3;
	[tilespmem:s29+$0xFFFFFF20] =	vst v1  }
0x41: {  	[tilespmem:s29+$0xFFFFFFA0] =	vst v2;
	v1 =	vld [tilespmem:s13+$0xFFFFFF30]  }
0x42: {  	[tilespmem:s29+$0x20] =	vst v3;
	v2 =	vld [tilespmem:s13+$0xFFFFFFB0];
	v0 =	vmul.f32 $1.131370830e+01, v0  }
0x43: {  	s30 =	simm.s32 $0x1C00;
	v3 =	vld [tilespmem:s13+$0x30]  }
0x44: {  	[tilespmem:s29+$0xB0] =	vst v0;
	v0 =	vld [tilespmem:s30+$0x80]  }
0x45: {  	v4 =	vld [tilespmem:s13+$0xC0]  }
0x46: {  	v5 =	vld [tilespmem:s30+$0xFFFFFF80];
	v1 =	vmul.f32 $1.131370830e+01, v1  }
0x47: {  	v6 =	vld [tilespmem:s30+$0x0];
	v2 =	vmul.f32 $1.131370830e+01, v2  }
0x48: {  	v3 =	vmul.f32 $1.131370830e+01, v3;
	[tilespmem:s29+$0xFFFFFF30] =	vst v1;
	v1 =	vld [tilespmem:s30+$0xFFFFFF00]  }
0x49: {  	[tilespmem:s29+$0xFFFFFFB0] =	vst v2;
	v2 =	vld [tilespmem:s13+$0xFFFFFF40];
	v0 =	vmul.f32 $1.131370830e+01, v0  }
0x4a: {  	s31 =	simm.s32 $0xDC00;
	[tilespmem:s29+$0x30] =	vst v3;
	v3 =	vld [tilespmem:s13+$0xFFFFFFC0];
	v4 =	vmul.f32 $1.131370830e+01, v4  }
0x4b: {  	v5 =	vmul.f32 $1.131370830e+01, v5;
	[tilespmem:s31+$0x80] =	vst v0;
	v0 =	vld [tilespmem:s13+$0x40]  }
0x4c: {  	v6 =	vmul.f32 $1.131370830e+01, v6;
	v7 =	vld [tilespmem:s30+$0x90];
	[tilespmem:s29+$0xC0] =	vst v4  }
0x4d: {  	[tilespmem:s31+$0xFFFFFF80] =	vst v5;
	v1 =	vmul.f32 $1.131370830e+01, v1;
	v4 =	vld [tilespmem:s13+$0xD0]  }
0x4e: {  	[tilespmem:s31+$0x0] =	vst v6;
	v5 =	vld [tilespmem:s30+$0xFFFFFF90];
	v2 =	vmul.f32 $1.131370830e+01, v2  }
0x4f: {  	v3 =	vmul.f32 $1.131370830e+01, v3;
	[tilespmem:s31+$0xFFFFFF00] =	vst v1;
	v1 =	vld [tilespmem:s30+$0x10]  }
0x50: {  	v6 =	vld [tilespmem:s30+$0xFFFFFF10];
	[tilespmem:s29+$0xFFFFFF40] =	vst v2;
	v0 =	vmul.f32 $1.131370830e+01, v0  }
0x51: {  	[tilespmem:s29+$0xFFFFFFC0] =	vst v3;
	v2 =	vmul.f32 $1.131370830e+01, v7;
	v7 =	vld [tilespmem:s13+$0xFFFFFF50]  }
0x52: {  	v3 =	vld [tilespmem:s13+$0xFFFFFFD0];
	[tilespmem:s29+$0x40] =	vst v0;
	v0 =	vmul.f32 $1.131370830e+01, v4  }
0x53: {  	v4 =	vmul.f32 $1.131370830e+01, v5;
	[tilespmem:s31+$0x90] =	vst v2;
	v2 =	vld [tilespmem:s13+$0x50]  }
0x54: {  	v1 =	vmul.f32 $1.131370830e+01, v1;
	v5 =	vld [tilespmem:s30+$0xA0];
	[tilespmem:s29+$0xD0] =	vst v0  }
0x55: {  	v0 =	vmul.f32 $1.131370830e+01, v6;
	[tilespmem:s31+$0xFFFFFF90] =	vst v4;
	v4 =	vld [tilespmem:s13+$0xE0]  }
0x56: {  	[tilespmem:s31+$0x10] =	vst v1;
	v6 =	vld [tilespmem:s30+$0xFFFFFFA0];
	v1 =	vmul.f32 $1.131370830e+01, v7  }
0x57: {  	v3 =	vmul.f32 $1.131370830e+01, v3;
	[tilespmem:s31+$0xFFFFFF10] =	vst v0;
	v0 =	vld [tilespmem:s30+$0x20]  }
0x58: {  	v7 =	vld [tilespmem:s30+$0xFFFFFF20];
	[tilespmem:s29+$0xFFFFFF50] =	vst v1;
	v1 =	vmul.f32 $1.131370830e+01, v2  }
0x59: {  	[tilespmem:s29+$0xFFFFFFD0] =	vst v3;
	v2 =	vmul.f32 $1.131370830e+01, v5;
	v5 =	vld [tilespmem:s13+$0xFFFFFF60]  }
0x5a: {  	v3 =	vld [tilespmem:s13+$0xFFFFFFE0];
	[tilespmem:s29+$0x50] =	vst v1;
	v1 =	vmul.f32 $1.131370830e+01, v4  }
0x5b: {  	v4 =	vmul.f32 $1.131370830e+01, v6;
	[tilespmem:s31+$0xA0] =	vst v2;
	v2 =	vld [tilespmem:s13+$0x60]  }
0x5c: {  	v0 =	vmul.f32 $1.131370830e+01, v0;
	v6 =	vld [tilespmem:s30+$0xB0];
	[tilespmem:s29+$0xE0] =	vst v1  }
0x5d: {  	v1 =	vmul.f32 $1.131370830e+01, v7;
	[tilespmem:s31+$0xFFFFFFA0] =	vst v4;
	v7 =	vld [tilespmem:s13+$0xF0]  }
0x5e: {  	v8 =	vld [tilespmem:s30+$0xFFFFFFB0];
	[tilespmem:s31+$0x20] =	vst v0;
	v0 =	vmul.f32 $1.131370830e+01, v5  }
0x5f: {  	v3 =	vmul.f32 $1.131370830e+01, v3;
	[tilespmem:s31+$0xFFFFFF20] =	vst v1;
	v4 =	vld [tilespmem:s30+$0x30]  }
0x60: {  	v5 =	vld [tilespmem:s30+$0xFFFFFF30];
	[tilespmem:s29+$0xFFFFFF60] =	vst v0;
	v2 =	vmul.f32 $1.131370830e+01, v2  }
0x61: {  	[tilespmem:s29+$0xFFFFFFE0] =	vst v3;
	v9 =	vmul.f32 $1.131370830e+01, v6;
	v1 =	vld [tilespmem:s13+$0xFFFFFF70]  }
0x62: {  	v0 =	vld [tilespmem:s13+$0xFFFFFFF0];
	[tilespmem:s29+$0x60] =	vst v2;
	v3 =	vmul.f32 $1.131370830e+01, v7  }
0x63: {  	s2 =	simm.s32 $0x4;
	s0 =	simm.s32 $0x1E00;
	v6 =	vmul.f32 $1.131370830e+01, v8;
	[tilespmem:s31+$0xB0] =	vst v9;
	v2 =	vld [tilespmem:s13+$0x70]  }
.LBB2_3:
0x64: {  	v7 =	vld [tilespmem:s0+$0x80];
	v4 =	vmul.f32 $1.131370830e+01, v4;
	[tilespmem:s29+$0xF0] =	vst v3  }
0x65: {  	s2 =	sadd.s32 $0x4, s2;
	v3 =	vmul.f32 $1.131370830e+01, v5;
	[tilespmem:s31+$0xFFFFFFB0] =	vst v6;
	v5 =	vld [tilespmem:s30+$0xC0]  }
0x66: {  	p1 =	slt.u32 s2, $0x7C;
	v6 =	vld [tilespmem:s0+$0xFFFFFF80];
	[tilespmem:s31+$0x30] =	vst v4;
	v1 =	vmul.f32 $1.131370830e+01, v1  }
0x67: {  	v4 =	vld [tilespmem:s0+$0x0];
	[tilespmem:s31+$0xFFFFFF30] =	vst v3;
	v0 =	vmul.f32 $1.131370830e+01, v0  }
0x68: {  	v3 =	vld [tilespmem:s0+$0xFFFFFF00];
	[tilespmem:s29+$0xFFFFFF70] =	vst v1;
	v1 =	vmul.f32 $1.131370830e+01, v2  }
0x69: {  	v2 =	vmul.f32 $1.131370830e+01, v7;
	v7 =	vld [tilespmem:s30+$0xFFFFFF40];
	[tilespmem:s29+$0xFFFFFFF0] =	vst v0  }
0x6a: {  	v0 =	vld [tilespmem:s30+$0xFFFFFFC0];
	v5 =	vmul.f32 $1.131370830e+01, v5;
	[tilespmem:s29+$0x70] =	vst v1;
	s29 =	smov.u32 s31;
	s31 =	sadd.s32 $0x200, s31  }
0x6b: {  	v1 =	vmul.f32 $1.131370830e+01, v6;
	[tilespmem:s31+$0x80] =	vst v2;
	v2 =	vld [tilespmem:s30+$0x40]  }
0x6c: {  	v4 =	vmul.f32 $1.131370830e+01, v4;
	v6 =	vld [tilespmem:s0+$0x90];
	[tilespmem:s29+$0xC0] =	vst v5  }
0x6d: {  	v3 =	vmul.f32 $1.131370830e+01, v3;
	[tilespmem:s31+$0xFFFFFF80] =	vst v1;
	v1 =	vld [tilespmem:s30+$0xD0]  }
0x6e: {  	v5 =	vld [tilespmem:s0+$0xFFFFFF90];
	[tilespmem:s31+$0x0] =	vst v4;
	v4 =	vmul.f32 $1.131370830e+01, v7  }
0x6f: {  	[tilespmem:s31+$0xFFFFFF00] =	vst v3;
	v3 =	vld [tilespmem:s0+$0x10];
	v0 =	vmul.f32 $1.131370830e+01, v0  }
0x70: {  	v7 =	vld [tilespmem:s0+$0xFFFFFF10];
	[tilespmem:s29+$0xFFFFFF40] =	vst v4;
	v2 =	vmul.f32 $1.131370830e+01, v2  }
0x71: {  	v4 =	vmul.f32 $1.131370830e+01, v6;
	v6 =	vld [tilespmem:s30+$0xFFFFFF50];
	[tilespmem:s29+$0xFFFFFFC0] =	vst v0  }
0x72: {  	v0 =	vld [tilespmem:s30+$0xFFFFFFD0];
	[tilespmem:s29+$0x40] =	vst v2;
	v1 =	vmul.f32 $1.131370830e+01, v1  }
0x73: {  	v2 =	vmul.f32 $1.131370830e+01, v5;
	[tilespmem:s31+$0x90] =	vst v4;
	v4 =	vld [tilespmem:s30+$0x50]  }
0x74: {  	v3 =	vmul.f32 $1.131370830e+01, v3;
	v5 =	vld [tilespmem:s0+$0xA0];
	[tilespmem:s29+$0xD0] =	vst v1  }
0x75: {  	v1 =	vmul.f32 $1.131370830e+01, v7;
	[tilespmem:s31+$0xFFFFFF90] =	vst v2;
	v2 =	vld [tilespmem:s30+$0xE0]  }
0x76: {  	v7 =	vld [tilespmem:s0+$0xFFFFFFA0];
	[tilespmem:s31+$0x10] =	vst v3;
	v3 =	vmul.f32 $1.131370830e+01, v6  }
0x77: {  	[tilespmem:s31+$0xFFFFFF10] =	vst v1;
	v1 =	vld [tilespmem:s0+$0x20];
	v0 =	vmul.f32 $1.131370830e+01, v0  }
0x78: {  	v6 =	vld [tilespmem:s0+$0xFFFFFF20];
	[tilespmem:s29+$0xFFFFFF50] =	vst v3;
	v3 =	vmul.f32 $1.131370830e+01, v4  }
0x79: {  	v4 =	vmul.f32 $1.131370830e+01, v5;
	v5 =	vld [tilespmem:s30+$0xFFFFFF60];
	[tilespmem:s29+$0xFFFFFFD0] =	vst v0  }
0x7a: {  	v0 =	vld [tilespmem:s30+$0xFFFFFFE0];
	[tilespmem:s29+$0x50] =	vst v3;
	v2 =	vmul.f32 $1.131370830e+01, v2  }
0x7b: {  	v3 =	vmul.f32 $1.131370830e+01, v7;
	[tilespmem:s31+$0xA0] =	vst v4;
	v7 =	vld [tilespmem:s30+$0x60]  }
0x7c: {  	v1 =	vmul.f32 $1.131370830e+01, v1;
	v8 =	vld [tilespmem:s0+$0xB0];
	[tilespmem:s29+$0xE0] =	vst v2  }
0x7d: {  	v2 =	vmul.f32 $1.131370830e+01, v6;
	[tilespmem:s31+$0xFFFFFFA0] =	vst v3;
	v3 =	vld [tilespmem:s30+$0xF0]  }
0x7e: {  	v6 =	vld [tilespmem:s0+$0xFFFFFFB0];
	[tilespmem:s31+$0x20] =	vst v1;
	v1 =	vmul.f32 $1.131370830e+01, v5  }
.Ltmp2:
0x7f: {  	[tilespmem:s31+$0xFFFFFF20] =	vst v2;
	v4 =	vld [tilespmem:s0+$0x30];
	v0 =	vmul.f32 $1.131370830e+01, v0;
	(pc) =	sbr.rel @p1 .LBB2_3-.Ltmp2, $4  }
0x80: {  	v5 =	vld [tilespmem:s0+$0xFFFFFF30];
	[tilespmem:s29+$0xFFFFFF60] =	vst v1;
	v2 =	vmul.f32 $1.131370830e+01, v7  }
0x81: {  	v7 =	vmul.f32 $1.131370830e+01, v8;
	v1 =	vld [tilespmem:s30+$0xFFFFFF70];
	[tilespmem:s29+$0xFFFFFFE0] =	vst v0  }
0x82: {  	v0 =	vld [tilespmem:s30+$0xFFFFFFF0];
	[tilespmem:s29+$0x60] =	vst v2;
	v3 =	vmul.f32 $1.131370830e+01, v3  }
0x83: {  	v6 =	vmul.f32 $1.131370830e+01, v6;
	[tilespmem:s31+$0xB0] =	vst v7;
	v2 =	vld [tilespmem:s30+$0x70];
	s30 =	smov.u32 s0;
	s0 =	sadd.s32 $0x200, s0  }
0x84: {  	_ = 	snop  }
0x85: {  	v5 =	vmul.f32 $1.131370830e+01, v5;
	_ =	sdelay $0x1  }
0x86: {  	v4 =	vmul.f32 $1.131370830e+01, v4;
	v7 =	vld [tilespmem:s30+$0xC0];
	[tilespmem:s31+$0xFFFFFF30] =	vst v5  }
0x87: {  	[tilespmem:s31+$0xFFFFFFB0] =	vst v6;
	v5 =	vld [tilespmem:s30+$0xFFFFFF40]  }
0x88: {  	[tilespmem:s31+$0x30] =	vst v4;
	v4 =	vld [tilespmem:s30+$0xFFFFFFC0]  }
0x89: {  	v6 =	vld [tilespmem:s30+$0x40];
	_ =	sdelay $0x1  }
0x8a: {  	v7 =	vmul.f32 $1.131370830e+01, v7  }
0x8b: {  	v5 =	vmul.f32 $1.131370830e+01, v5  }
0x8c: {  	[tilespmem:s31+$0xC0] =	vst v7;
	v4 =	vmul.f32 $1.131370830e+01, v4  }
0x8d: {  	v7 =	vld [tilespmem:s30+$0xD0];
	[tilespmem:s31+$0xFFFFFF40] =	vst v5;
	v5 =	vmul.f32 $1.131370830e+01, v6  }
0x8e: {  	[tilespmem:s31+$0xFFFFFFC0] =	vst v4;
	v6 =	vld [tilespmem:s30+$0xFFFFFF50]  }
0x8f: {  	v4 =	vld [tilespmem:s30+$0xFFFFFFD0];
	[tilespmem:s31+$0x40] =	vst v5  }
0x90: {  	v5 =	vld [tilespmem:s30+$0x50];
	_ =	sdelay $0x1  }
0x91: {  	v7 =	vmul.f32 $1.131370830e+01, v7  }
0x92: {  	v6 =	vmul.f32 $1.131370830e+01, v6  }
0x93: {  	[tilespmem:s31+$0xD0] =	vst v7;
	v4 =	vmul.f32 $1.131370830e+01, v4  }
0x94: {  	v7 =	vld [tilespmem:s30+$0xE0];
	[tilespmem:s31+$0xFFFFFF50] =	vst v6;
	v5 =	vmul.f32 $1.131370830e+01, v5  }
0x95: {  	[tilespmem:s31+$0xFFFFFFD0] =	vst v4;
	v6 =	vld [tilespmem:s30+$0xFFFFFF60]  }
0x96: {  	v4 =	vld [tilespmem:s30+$0xFFFFFFE0];
	[tilespmem:s31+$0x50] =	vst v5  }
0x97: {  	v5 =	vld [tilespmem:s30+$0x60];
	_ =	sdelay $0x1  }
0x98: {  	v7 =	vmul.f32 $1.131370830e+01, v7  }
0x99: {  	v6 =	vmul.f32 $1.131370830e+01, v6  }
0x9a: {  	[tilespmem:s31+$0xE0] =	vst v7;
	v4 =	vmul.f32 $1.131370830e+01, v4  }
0x9b: {  	v7 =	vld [tilespmem:s30+$0xF0];
	[tilespmem:s31+$0xFFFFFF60] =	vst v6;
	v5 =	vmul.f32 $1.131370830e+01, v5  }
0x9c: {  	[tilespmem:s31+$0xFFFFFFE0] =	vst v4;
	v6 =	vld [tilespmem:s30+$0xFFFFFF70]  }
0x9d: {  	v1 =	vmul.f32 $1.131370830e+01, v1;
	v4 =	vld [tilespmem:s30+$0xFFFFFFF0];
	[tilespmem:s31+$0x60] =	vst v5  }
0x9e: {  	[tilespmem:s29+$0xF0] =	vst v3;
	v0 =	vmul.f32 $1.131370830e+01, v0;
	v3 =	vld [tilespmem:s30+$0x70]  }
0x9f: {  	[tilespmem:s29+$0xFFFFFF70] =	vst v1;
	v1 =	vmul.f32 $1.131370830e+01, v2  }
0xa0: {  	[tilespmem:s29+$0xFFFFFFF0] =	vst v0;
	v0 =	vmul.f32 $1.131370830e+01, v7  }
0xa1: {  	p1 =	seq.s32 s28, $0x10;
	[tilespmem:s29+$0x70] =	vst v1;
	v1 =	vmul.f32 $1.131370830e+01, v6  }
0xa2: {  	s0 =	smul.u32 @!p1 $0x600, s28;
	[tilespmem:s31+$0xF0] =	vst v0;
	v0 =	vmul.f32 $1.131370830e+01, v4  }
0xa3: {  	s29 =	smul.u32 $0x180, s28;
	[tilespmem:s31+$0xFFFFFF70] =	vst v1;
	v1 =	vmul.f32 $1.131370830e+01, v3  }
0xa4: {  	s2 =	simm.s32 @!p1 $0x80;
	s0 =	sshra.s32 @!p1 s0, $0x2;
	[tilespmem:s31+$0xFFFFFFF0] =	vst v0  }
0xa5: {  	s13 =	simm.s32 @!p1 $0x1900;
	s0 =	sadd.s32 @!p1 $0x180, s0;
	[tilespmem:s31+$0x70] =	vst v1;
	s31 =	sadd.s32 s5, s29  }
0xa6: {  	[tilespmem:s13], [sflag:$0x1] =	stream.indirect.gather @!p1 [hbm4b:s1+s2], $0x80, s0, s2, $0xb8;
	[tilespmem:$0x19900] =	vst v63  }
0xa7: {  	s0 =	sshll.u32 s31, $0x4  }
0xa8: {  	s0 =	sadd.s32 s3, s0  }
0xa9: {  	[hbm4b:s0+s4] =	stream.linear.scatter [tilespmem:s18], [sflag:$0x4], $0x4000, $0x38;
	[tilespmem:$0x19900] =	vst v63  }
0xaa: {  	_ =	swait.ge [sflag:s19], $0x4000  }
0xab: {  	[sflag:s19] =	ssyncset.done $0x0  }
0xac: {  	s0 =	simm.s32 @!p0 $0x5;
	[sflag:s19] =	ssyncadd.s32 $0xFFFFC000  }
0xad: {  	_ =	swait.ge @!p0 [sflag:s0], $0x4000  }
0xae: {  	[sflag:s0] =	ssyncset.done @!p0 $0x0  }
0xaf: {  	s29 =	simm.s32 $0x0;
	[sflag:s0] =	ssyncadd.s32 @!p0 $0xFFFFC000  }
0xb0: {  	v1 =	vld [tilespmem:s29+$0x5900]  }
0xb1: {  	v0 =	vld [tilespmem:s29+$0x5AF0]  }
0xb2: {  	v2 =	vld [tilespmem:s29+$0x5910]  }
0xb3: {  	v3 =	vld [tilespmem:s29+$0x5920]  }
0xb4: {  	v7 =	vld [tilespmem:s29+$0x5960]  }
0xb5: {  	v5 =	vld [tilespmem:s29+$0x5940];
	v1 =	vmul.f32 $1.131370830e+01, v1  }
0xb6: {  	v4 =	vld [tilespmem:s29+$0x5930];
	v0 =	vmul.f32 $1.131370830e+01, v0  }
0xb7: {  	v8 =	vld [tilespmem:s29+$0x5980];
	v2 =	vmul.f32 $1.131370830e+01, v2;
	[tilespmem:s29+$0x11900] =	vst v1  }
0xb8: {  	v6 =	vld [tilespmem:s29+$0x5950];
	[tilespmem:s29+$0x11AF0] =	vst v0;
	v0 =	vmul.f32 $1.131370830e+01, v3  }
0xb9: {  	v7 =	vmul.f32 $1.131370830e+01, v7;
	v1 =	vld [tilespmem:s29+$0x5970];
	[tilespmem:s29+$0x11910] =	vst v2  }
0xba: {  	v3 =	vld [tilespmem:s29+$0x5990];
	[tilespmem:s29+$0x11920] =	vst v0;
	v0 =	vmul.f32 $1.131370830e+01, v5  }
0xbb: {  	v2 =	vmul.f32 $1.131370830e+01, v4;
	v4 =	vld [tilespmem:s29+$0x59A0];
	[tilespmem:s29+$0x11960] =	vst v7  }
0xbc: {  	v5 =	vld [tilespmem:s29+$0x59B0];
	[tilespmem:s29+$0x11940] =	vst v0;
	v0 =	vmul.f32 $1.131370830e+01, v8  }
0xbd: {  	[tilespmem:s29+$0x11930] =	vst v2;
	v2 =	vmul.f32 $1.131370830e+01, v6;
	v6 =	vld [tilespmem:s29+$0x59C0]  }
0xbe: {  	v8 =	vld [tilespmem:s29+$0x59D0];
	[tilespmem:s29+$0x11980] =	vst v0;
	v0 =	vmul.f32 $1.131370830e+01, v1  }
0xbf: {  	[tilespmem:s29+$0x11950] =	vst v2;
	v1 =	vmul.f32 $1.131370830e+01, v3;
	v3 =	vld [tilespmem:s29+$0x59F0]  }
0xc0: {  	v2 =	vld [tilespmem:s29+$0x59E0];
	[tilespmem:s29+$0x11970] =	vst v0;
	v0 =	vmul.f32 $1.131370830e+01, v4  }
0xc1: {  	v4 =	vld [tilespmem:s29+$0x5A00];
	[tilespmem:s29+$0x11990] =	vst v1;
	v1 =	vmul.f32 $1.131370830e+01, v5  }
0xc2: {  	v5 =	vld [tilespmem:s29+$0x5A10];
	[tilespmem:s29+$0x119A0] =	vst v0;
	v0 =	vmul.f32 $1.131370830e+01, v6  }
0xc3: {  	v6 =	vld [tilespmem:s29+$0x5A20];
	[tilespmem:s29+$0x119B0] =	vst v1;
	v1 =	vmul.f32 $1.131370830e+01, v8  }
0xc4: {  	v7 =	vld [tilespmem:s29+$0x5A30];
	v3 =	vmul.f32 $1.131370830e+01, v3;
	[tilespmem:s29+$0x119C0] =	vst v0  }
0xc5: {  	v0 =	vmul.f32 $1.131370830e+01, v2;
	v2 =	vld [tilespmem:s29+$0x5A40];
	[tilespmem:s29+$0x119D0] =	vst v1  }
0xc6: {  	v1 =	vmul.f32 $1.131370830e+01, v4;
	v4 =	vld [tilespmem:s29+$0x5A50];
	[tilespmem:s29+$0x119F0] =	vst v3  }
0xc7: {  	v8 =	vld [tilespmem:s29+$0x5A60];
	[tilespmem:s29+$0x119E0] =	vst v0;
	v0 =	vmul.f32 $1.131370830e+01, v5  }
0xc8: {  	v5 =	vld [tilespmem:s29+$0x5A70];
	[tilespmem:s29+$0x11A00] =	vst v1;
	v1 =	vmul.f32 $1.131370830e+01, v6  }
0xc9: {  	[tilespmem:s29+$0x11A10] =	vst v0;
	v0 =	vmul.f32 $1.131370830e+01, v7;
	v7 =	vld [tilespmem:s29+$0x5A80]  }
0xca: {  	v3 =	vld [tilespmem:s29+$0x5A90];
	[tilespmem:s29+$0x11A20] =	vst v1;
	v1 =	vmul.f32 $1.131370830e+01, v2  }
0xcb: {  	[tilespmem:s29+$0x11A30] =	vst v0;
	v2 =	vmul.f32 $1.131370830e+01, v4;
	v0 =	vld [tilespmem:s29+$0x5AA0]  }
0xcc: {  	v4 =	vmul.f32 $1.131370830e+01, v8;
	[tilespmem:s29+$0x11A40] =	vst v1;
	v1 =	vld [tilespmem:s29+$0x5AB0]  }
0xcd: {  	v6 =	vmul.f32 $1.131370830e+01, v5;
	[tilespmem:s29+$0x11A50] =	vst v2;
	v2 =	vld [tilespmem:s29+$0x5AC0]  }
0xce: {  	s2 =	simm.s32 $0x0;
	s0 =	simm.s32 $0x800;
	[tilespmem:s29+$0x11A60] =	vst v4;
	v4 =	vld [tilespmem:s29+$0x5AD0];
	v5 =	vmul.f32 $1.131370830e+01, v7  }
.LBB2_5:
0xcf: {  	s13 =	sshra.s32 s0, $0x2;
	s2 =	sadd.s32 $0x4, s2;
	[tilespmem:s29+$0x11A70] =	vst v6;
	v3 =	vmul.f32 $1.131370830e+01, v3;
	v6 =	vld [tilespmem:s29+$0x5AE0]  }
0xd0: {  	v7 =	vld [tilespmem:s13+$0x5AF0];
	p2 =	slt.u32 s2, $0x7C;
	[tilespmem:s29+$0x11A80] =	vst v5;
	v0 =	vmul.f32 $1.131370830e+01, v0  }
0xd1: {  	v5 =	vld [tilespmem:s13+$0x5900];
	[tilespmem:s29+$0x11A90] =	vst v3;
	v1 =	vmul.f32 $1.131370830e+01, v1  }
0xd2: {  	v3 =	vld [tilespmem:s13+$0x5910];
	[tilespmem:s29+$0x11AA0] =	vst v0;
	v0 =	vmul.f32 $1.131370830e+01, v2  }
0xd3: {  	v2 =	vld [tilespmem:s13+$0x5920];
	[tilespmem:s29+$0x11AB0] =	vst v1;
	v1 =	vmul.f32 $1.131370830e+01, v4  }
0xd4: {  	v4 =	vld [tilespmem:s13+$0x5930];
	[tilespmem:s29+$0x11AC0] =	vst v0;
	v0 =	vmul.f32 $1.131370830e+01, v6  }
0xd5: {  	v6 =	vld [tilespmem:s13+$0x5940];
	v7 =	vmul.f32 $1.131370830e+01, v7;
	[tilespmem:s29+$0x11AD0] =	vst v1  }
0xd6: {  	v1 =	vmul.f32 $1.131370830e+01, v5;
	v5 =	vld [tilespmem:s13+$0x5950];
	[tilespmem:s29+$0x11AE0] =	vst v0;
	s29 =	smov.u32 s13  }
0xd7: {  	v0 =	vmul.f32 $1.131370830e+01, v3;
	v3 =	vld [tilespmem:s29+$0x5960];
	[tilespmem:s29+$0x11AF0] =	vst v7  }
0xd8: {  	[tilespmem:s29+$0x11900] =	vst v1;
	v1 =	vmul.f32 $1.131370830e+01, v2;
	v2 =	vld [tilespmem:s29+$0x5970]  }
0xd9: {  	[tilespmem:s29+$0x11910] =	vst v0;
	v0 =	vmul.f32 $1.131370830e+01, v4;
	v4 =	vld [tilespmem:s29+$0x5980]  }
0xda: {  	[tilespmem:s29+$0x11920] =	vst v1;
	v1 =	vmul.f32 $1.131370830e+01, v6;
	v6 =	vld [tilespmem:s29+$0x5990]  }
0xdb: {  	[tilespmem:s29+$0x11930] =	vst v0;
	v0 =	vmul.f32 $1.131370830e+01, v5;
	v5 =	vld [tilespmem:s29+$0x59A0]  }
0xdc: {  	[tilespmem:s29+$0x11940] =	vst v1;
	v1 =	vmul.f32 $1.131370830e+01, v3;
	v3 =	vld [tilespmem:s29+$0x59B0]  }
0xdd: {  	[tilespmem:s29+$0x11950] =	vst v0;
	v0 =	vmul.f32 $1.131370830e+01, v2;
	v2 =	vld [tilespmem:s29+$0x59C0]  }
0xde: {  	[tilespmem:s29+$0x11960] =	vst v1;
	v1 =	vmul.f32 $1.131370830e+01, v4;
	v4 =	vld [tilespmem:s29+$0x59D0]  }
0xdf: {  	[tilespmem:s29+$0x11970] =	vst v0;
	v0 =	vmul.f32 $1.131370830e+01, v6;
	v6 =	vld [tilespmem:s29+$0x59E0]  }
0xe0: {  	[tilespmem:s29+$0x11980] =	vst v1;
	v1 =	vmul.f32 $1.131370830e+01, v5;
	v5 =	vld [tilespmem:s29+$0x59F0]  }
0xe1: {  	[tilespmem:s29+$0x11990] =	vst v0;
	v0 =	vmul.f32 $1.131370830e+01, v3;
	v3 =	vld [tilespmem:s29+$0x5A00]  }
0xe2: {  	[tilespmem:s29+$0x119A0] =	vst v1;
	v1 =	vmul.f32 $1.131370830e+01, v2;
	v2 =	vld [tilespmem:s29+$0x5A10]  }
0xe3: {  	[tilespmem:s29+$0x119B0] =	vst v0;
	v0 =	vmul.f32 $1.131370830e+01, v4;
	v4 =	vld [tilespmem:s29+$0x5A20]  }
0xe4: {  	[tilespmem:s29+$0x119C0] =	vst v1;
	v1 =	vmul.f32 $1.131370830e+01, v6;
	v6 =	vld [tilespmem:s29+$0x5A30]  }
0xe5: {  	[tilespmem:s29+$0x119D0] =	vst v0;
	v0 =	vmul.f32 $1.131370830e+01, v5;
	v5 =	vld [tilespmem:s29+$0x5A40]  }
0xe6: {  	[tilespmem:s29+$0x119E0] =	vst v1;
	v1 =	vmul.f32 $1.131370830e+01, v3;
	v7 =	vld [tilespmem:s29+$0x5A50]  }
0xe7: {  	[tilespmem:s29+$0x119F0] =	vst v0;
	v0 =	vmul.f32 $1.131370830e+01, v2;
	v2 =	vld [tilespmem:s29+$0x5A60]  }
0xe8: {  	[tilespmem:s29+$0x11A00] =	vst v1;
	v1 =	vmul.f32 $1.131370830e+01, v4;
	v4 =	vld [tilespmem:s29+$0x5A70]  }
0xe9: {  	[tilespmem:s29+$0x11A10] =	vst v0;
	v0 =	vmul.f32 $1.131370830e+01, v6;
	v8 =	vld [tilespmem:s29+$0x5A80]  }
.Ltmp3:
0xea: {  	[tilespmem:s29+$0x11A20] =	vst v1;
	v1 =	vmul.f32 $1.131370830e+01, v5;
	v3 =	vld [tilespmem:s29+$0x5A90];
	(pc) =	sbr.rel @p2 .LBB2_5-.Ltmp3, $4  }
0xeb: {  	[tilespmem:s29+$0x11A30] =	vst v0;
	v5 =	vmul.f32 $1.131370830e+01, v7;
	v0 =	vld [tilespmem:s29+$0x5AA0]  }
0xec: {  	[tilespmem:s29+$0x11A40] =	vst v1;
	v7 =	vmul.f32 $1.131370830e+01, v2;
	v1 =	vld [tilespmem:s29+$0x5AB0]  }
0xed: {  	[tilespmem:s29+$0x11A50] =	vst v5;
	v6 =	vmul.f32 $1.131370830e+01, v4;
	v2 =	vld [tilespmem:s29+$0x5AC0]  }
0xee: {  	s0 =	sadd.s32 $0x800, s0;
	[tilespmem:s29+$0x11A60] =	vst v7;
	v5 =	vmul.f32 $1.131370830e+01, v8;
	v4 =	vld [tilespmem:s29+$0x5AD0]  }
0xef: {  	[tilespmem:s29+$0x11A70] =	vst v6;
	v3 =	vmul.f32 $1.131370830e+01, v3;
	v60 =	vld [tilespmem:s29+$0x5AE0]  }
0xf0: {  	[tilespmem:s29+$0x11A80] =	vst v5;
	v0 =	vmul.f32 $1.131370830e+01, v0  }
0xf1: {  	[tilespmem:s29+$0x11A90] =	vst v3;
	v1 =	vmul.f32 $1.131370830e+01, v1  }
.Ltmp4:
0xf2: {  	[tilespmem:s29+$0x11AA0] =	vst v0;
	v61 =	vmul.f32 $1.131370830e+01, v2;
	(pc) =	sbr.rel @p1 .LBB2_12-.Ltmp4, $4  }
0xf3: {  	[tilespmem:s29+$0x11AB0] =	vst v1;
	v62 =	vmul.f32 $1.131370830e+01, v4  }
0xf4: {  	[tilespmem:s29+$0x11AC0] =	vst v61;
	v63 =	vmul.f32 $1.131370830e+01, v60  }
0xf5: {  	[tilespmem:s29+$0x11AD0] =	vst v62  }
0xf6: {  	[tilespmem:s29+$0x11AE0] =	vst v63  }
0xf7: {  	s0 =	smul.u32 $0x600, s28  }
0xf8: {  	s29 =	smul.u32 $0xC000, s28  }
0xf9: {  	s30 =	sshra.s32 s0, $0x2  }
0xfa: {  	s13 =	sadd.s32 s7, s29;
	s0 =	sadd.s32 $0x200, s30  }
0xfb: {  	[tilespmem:s14], [sflag:$0x2] =	stream.indirect.gather [hbm4b:s1+s12], $0x80, s0, s12, $0xb8;
	[tilespmem:$0x19900] =	vst v63  }
0xfc: {  	s0 =	sshrl.u32 s13, $0x3  }
0xfd: {  	s0 =	sadd.s32 s3, s0  }
0xfe: {  	[hbm4b:s0+s4] =	stream.linear.scatter [tilespmem:s20], [sflag:$0x5], $0x4000, $0x38;
	[tilespmem:$0x19900] =	vst v63  }
0xff: {  	_ =	swait.ge [sflag:s24], $0x4000  }
0x100: {  	[sflag:s24] =	ssyncset.done $0x0  }
0x101: {  	s0 =	simm.s32 @!p0 $0x6;
	[sflag:s24] =	ssyncadd.s32 $0xFFFFC000  }
0x102: {  	_ =	swait.ge @!p0 [sflag:s0], $0x4000  }
0x103: {  	[sflag:s0] =	ssyncset.done @!p0 $0x0  }
0x104: {  	s31 =	simm.s32 $0x0;
	[sflag:s0] =	ssyncadd.s32 @!p0 $0xFFFFC000  }
0x105: {  	v1 =	vld [tilespmem:s31+$0x9900]  }
0x106: {  	v0 =	vld [tilespmem:s31+$0x9AF0]  }
0x107: {  	v2 =	vld [tilespmem:s31+$0x9910]  }
0x108: {  	v3 =	vld [tilespmem:s31+$0x9920]  }
0x109: {  	v7 =	vld [tilespmem:s31+$0x9960]  }
0x10a: {  	v5 =	vld [tilespmem:s31+$0x9940];
	v1 =	vmul.f32 $1.131370830e+01, v1  }
0x10b: {  	v4 =	vld [tilespmem:s31+$0x9930];
	v0 =	vmul.f32 $1.131370830e+01, v0  }
0x10c: {  	v8 =	vld [tilespmem:s31+$0x9980];
	v2 =	vmul.f32 $1.131370830e+01, v2;
	[tilespmem:s31+$0x15900] =	vst v1  }
0x10d: {  	v6 =	vld [tilespmem:s31+$0x9950];
	[tilespmem:s31+$0x15AF0] =	vst v0;
	v0 =	vmul.f32 $1.131370830e+01, v3  }
0x10e: {  	v7 =	vmul.f32 $1.131370830e+01, v7;
	v1 =	vld [tilespmem:s31+$0x9970];
	[tilespmem:s31+$0x15910] =	vst v2  }
0x10f: {  	v3 =	vld [tilespmem:s31+$0x9990];
	[tilespmem:s31+$0x15920] =	vst v0;
	v0 =	vmul.f32 $1.131370830e+01, v5  }
0x110: {  	v2 =	vmul.f32 $1.131370830e+01, v4;
	v4 =	vld [tilespmem:s31+$0x99A0];
	[tilespmem:s31+$0x15960] =	vst v7  }
0x111: {  	v5 =	vld [tilespmem:s31+$0x99B0];
	[tilespmem:s31+$0x15940] =	vst v0;
	v0 =	vmul.f32 $1.131370830e+01, v8  }
0x112: {  	[tilespmem:s31+$0x15930] =	vst v2;
	v2 =	vmul.f32 $1.131370830e+01, v6;
	v6 =	vld [tilespmem:s31+$0x99C0]  }
0x113: {  	v8 =	vld [tilespmem:s31+$0x99D0];
	[tilespmem:s31+$0x15980] =	vst v0;
	v0 =	vmul.f32 $1.131370830e+01, v1  }
0x114: {  	[tilespmem:s31+$0x15950] =	vst v2;
	v1 =	vmul.f32 $1.131370830e+01, v3;
	v3 =	vld [tilespmem:s31+$0x99F0]  }
0x115: {  	v2 =	vld [tilespmem:s31+$0x99E0];
	[tilespmem:s31+$0x15970] =	vst v0;
	v0 =	vmul.f32 $1.131370830e+01, v4  }
0x116: {  	v4 =	vld [tilespmem:s31+$0x9A00];
	[tilespmem:s31+$0x15990] =	vst v1;
	v1 =	vmul.f32 $1.131370830e+01, v5  }
0x117: {  	v5 =	vld [tilespmem:s31+$0x9A10];
	[tilespmem:s31+$0x159A0] =	vst v0;
	v0 =	vmul.f32 $1.131370830e+01, v6  }
0x118: {  	v6 =	vld [tilespmem:s31+$0x9A20];
	[tilespmem:s31+$0x159B0] =	vst v1;
	v1 =	vmul.f32 $1.131370830e+01, v8  }
0x119: {  	v7 =	vld [tilespmem:s31+$0x9A30];
	v3 =	vmul.f32 $1.131370830e+01, v3;
	[tilespmem:s31+$0x159C0] =	vst v0  }
0x11a: {  	v0 =	vmul.f32 $1.131370830e+01, v2;
	v2 =	vld [tilespmem:s31+$0x9A40];
	[tilespmem:s31+$0x159D0] =	vst v1  }
0x11b: {  	v1 =	vmul.f32 $1.131370830e+01, v4;
	v4 =	vld [tilespmem:s31+$0x9A50];
	[tilespmem:s31+$0x159F0] =	vst v3  }
0x11c: {  	v8 =	vld [tilespmem:s31+$0x9A60];
	[tilespmem:s31+$0x159E0] =	vst v0;
	v0 =	vmul.f32 $1.131370830e+01, v5  }
0x11d: {  	v5 =	vld [tilespmem:s31+$0x9A70];
	[tilespmem:s31+$0x15A00] =	vst v1;
	v1 =	vmul.f32 $1.131370830e+01, v6  }
0x11e: {  	[tilespmem:s31+$0x15A10] =	vst v0;
	v0 =	vmul.f32 $1.131370830e+01, v7;
	v7 =	vld [tilespmem:s31+$0x9A80]  }
0x11f: {  	v3 =	vld [tilespmem:s31+$0x9A90];
	[tilespmem:s31+$0x15A20] =	vst v1;
	v1 =	vmul.f32 $1.131370830e+01, v2  }
0x120: {  	[tilespmem:s31+$0x15A30] =	vst v0;
	v2 =	vmul.f32 $1.131370830e+01, v4;
	v0 =	vld [tilespmem:s31+$0x9AA0]  }
0x121: {  	v4 =	vmul.f32 $1.131370830e+01, v8;
	[tilespmem:s31+$0x15A40] =	vst v1;
	v1 =	vld [tilespmem:s31+$0x9AB0]  }
0x122: {  	v6 =	vmul.f32 $1.131370830e+01, v5;
	[tilespmem:s31+$0x15A50] =	vst v2;
	v2 =	vld [tilespmem:s31+$0x9AC0]  }
0x123: {  	s2 =	simm.s32 $0x0;
	s0 =	simm.s32 $0x800;
	[tilespmem:s31+$0x15A60] =	vst v4;
	v4 =	vld [tilespmem:s31+$0x9AD0];
	v5 =	vmul.f32 $1.131370830e+01, v7  }
.LBB2_8:
0x124: {  	s13 =	sshra.s32 s0, $0x2;
	s2 =	sadd.s32 $0x4, s2;
	[tilespmem:s31+$0x15A70] =	vst v6;
	v3 =	vmul.f32 $1.131370830e+01, v3;
	v6 =	vld [tilespmem:s31+$0x9AE0]  }
0x125: {  	v7 =	vld [tilespmem:s13+$0x9AF0];
	p0 =	slt.u32 s2, $0x7C;
	[tilespmem:s31+$0x15A80] =	vst v5;
	v0 =	vmul.f32 $1.131370830e+01, v0  }
0x126: {  	v5 =	vld [tilespmem:s13+$0x9900];
	[tilespmem:s31+$0x15A90] =	vst v3;
	v1 =	vmul.f32 $1.131370830e+01, v1  }
0x127: {  	v3 =	vld [tilespmem:s13+$0x9910];
	[tilespmem:s31+$0x15AA0] =	vst v0;
	v0 =	vmul.f32 $1.131370830e+01, v2  }
0x128: {  	v2 =	vld [tilespmem:s13+$0x9920];
	[tilespmem:s31+$0x15AB0] =	vst v1;
	v1 =	vmul.f32 $1.131370830e+01, v4  }
0x129: {  	v4 =	vld [tilespmem:s13+$0x9930];
	[tilespmem:s31+$0x15AC0] =	vst v0;
	v0 =	vmul.f32 $1.131370830e+01, v6  }
0x12a: {  	v6 =	vld [tilespmem:s13+$0x9940];
	v7 =	vmul.f32 $1.131370830e+01, v7;
	[tilespmem:s31+$0x15AD0] =	vst v1  }
0x12b: {  	v1 =	vmul.f32 $1.131370830e+01, v5;
	v5 =	vld [tilespmem:s13+$0x9950];
	[tilespmem:s31+$0x15AE0] =	vst v0;
	s31 =	smov.u32 s13  }
0x12c: {  	v0 =	vmul.f32 $1.131370830e+01, v3;
	v3 =	vld [tilespmem:s31+$0x9960];
	[tilespmem:s31+$0x15AF0] =	vst v7  }
0x12d: {  	[tilespmem:s31+$0x15900] =	vst v1;
	v1 =	vmul.f32 $1.131370830e+01, v2;
	v2 =	vld [tilespmem:s31+$0x9970]  }
0x12e: {  	[tilespmem:s31+$0x15910] =	vst v0;
	v0 =	vmul.f32 $1.131370830e+01, v4;
	v4 =	vld [tilespmem:s31+$0x9980]  }
0x12f: {  	[tilespmem:s31+$0x15920] =	vst v1;
	v1 =	vmul.f32 $1.131370830e+01, v6;
	v6 =	vld [tilespmem:s31+$0x9990]  }
0x130: {  	[tilespmem:s31+$0x15930] =	vst v0;
	v0 =	vmul.f32 $1.131370830e+01, v5;
	v5 =	vld [tilespmem:s31+$0x99A0]  }
0x131: {  	[tilespmem:s31+$0x15940] =	vst v1;
	v1 =	vmul.f32 $1.131370830e+01, v3;
	v3 =	vld [tilespmem:s31+$0x99B0]  }
0x132: {  	[tilespmem:s31+$0x15950] =	vst v0;
	v0 =	vmul.f32 $1.131370830e+01, v2;
	v2 =	vld [tilespmem:s31+$0x99C0]  }
0x133: {  	[tilespmem:s31+$0x15960] =	vst v1;
	v1 =	vmul.f32 $1.131370830e+01, v4;
	v4 =	vld [tilespmem:s31+$0x99D0]  }
0x134: {  	[tilespmem:s31+$0x15970] =	vst v0;
	v0 =	vmul.f32 $1.131370830e+01, v6;
	v6 =	vld [tilespmem:s31+$0x99E0]  }
0x135: {  	[tilespmem:s31+$0x15980] =	vst v1;
	v1 =	vmul.f32 $1.131370830e+01, v5;
	v5 =	vld [tilespmem:s31+$0x99F0]  }
0x136: {  	[tilespmem:s31+$0x15990] =	vst v0;
	v0 =	vmul.f32 $1.131370830e+01, v3;
	v3 =	vld [tilespmem:s31+$0x9A00]  }
0x137: {  	[tilespmem:s31+$0x159A0] =	vst v1;
	v1 =	vmul.f32 $1.131370830e+01, v2;
	v2 =	vld [tilespmem:s31+$0x9A10]  }
0x138: {  	[tilespmem:s31+$0x159B0] =	vst v0;
	v0 =	vmul.f32 $1.131370830e+01, v4;
	v4 =	vld [tilespmem:s31+$0x9A20]  }
0x139: {  	[tilespmem:s31+$0x159C0] =	vst v1;
	v1 =	vmul.f32 $1.131370830e+01, v6;
	v6 =	vld [tilespmem:s31+$0x9A30]  }
0x13a: {  	[tilespmem:s31+$0x159D0] =	vst v0;
	v0 =	vmul.f32 $1.131370830e+01, v5;
	v5 =	vld [tilespmem:s31+$0x9A40]  }
0x13b: {  	[tilespmem:s31+$0x159E0] =	vst v1;
	v1 =	vmul.f32 $1.131370830e+01, v3;
	v7 =	vld [tilespmem:s31+$0x9A50]  }
0x13c: {  	[tilespmem:s31+$0x159F0] =	vst v0;
	v0 =	vmul.f32 $1.131370830e+01, v2;
	v2 =	vld [tilespmem:s31+$0x9A60]  }
0x13d: {  	[tilespmem:s31+$0x15A00] =	vst v1;
	v1 =	vmul.f32 $1.131370830e+01, v4;
	v4 =	vld [tilespmem:s31+$0x9A70]  }
0x13e: {  	[tilespmem:s31+$0x15A10] =	vst v0;
	v0 =	vmul.f32 $1.131370830e+01, v6;
	v8 =	vld [tilespmem:s31+$0x9A80]  }
.Ltmp5:
0x13f: {  	[tilespmem:s31+$0x15A20] =	vst v1;
	v1 =	vmul.f32 $1.131370830e+01, v5;
	v3 =	vld [tilespmem:s31+$0x9A90];
	(pc) =	sbr.rel @p0 .LBB2_8-.Ltmp5, $4  }
0x140: {  	[tilespmem:s31+$0x15A30] =	vst v0;
	v5 =	vmul.f32 $1.131370830e+01, v7;
	v0 =	vld [tilespmem:s31+$0x9AA0]  }
0x141: {  	[tilespmem:s31+$0x15A40] =	vst v1;
	v7 =	vmul.f32 $1.131370830e+01, v2;
	v1 =	vld [tilespmem:s31+$0x9AB0]  }
0x142: {  	[tilespmem:s31+$0x15A50] =	vst v5;
	v6 =	vmul.f32 $1.131370830e+01, v4;
	v2 =	vld [tilespmem:s31+$0x9AC0]  }
0x143: {  	s0 =	sadd.s32 $0x800, s0;
	[tilespmem:s31+$0x15A60] =	vst v7;
	v5 =	vmul.f32 $1.131370830e+01, v8;
	v4 =	vld [tilespmem:s31+$0x9AD0]  }
0x144: {  	[tilespmem:s31+$0x15A70] =	vst v6;
	v3 =	vmul.f32 $1.131370830e+01, v3;
	v60 =	vld [tilespmem:s31+$0x9AE0]  }
0x145: {  	[tilespmem:s31+$0x15A80] =	vst v5;
	v0 =	vmul.f32 $1.131370830e+01, v0  }
0x146: {  	[tilespmem:s31+$0x15A90] =	vst v3;
	v1 =	vmul.f32 $1.131370830e+01, v1  }
0x147: {  	[tilespmem:s31+$0x15AA0] =	vst v0;
	v61 =	vmul.f32 $1.131370830e+01, v2  }
0x148: {  	[tilespmem:s31+$0x15AB0] =	vst v1;
	v62 =	vmul.f32 $1.131370830e+01, v4  }
0x149: {  	[tilespmem:s31+$0x15AC0] =	vst v61;
	v63 =	vmul.f32 $1.131370830e+01, v60  }
0x14a: {  	p0 =	sgt.u32 s28, $0xE;
	s28 =	sadd.s32 $0x1, s28;
	[tilespmem:s31+$0x15AD0] =	vst v62  }
0x14b: {  	s0 =	sadd.s32 @!p0 $0x280, s30;
	s2 =	simm.s32 @!p0 $0x80;
	s13 =	simm.s32 @!p0 $0x9900;
	[tilespmem:s31+$0x15AE0] =	vst v63  }
0x14c: {  	[tilespmem:s13], [sflag:$0x3] =	stream.indirect.gather @!p0 [hbm4b:s1+s2], $0x80, s0, s2, $0xb8;
	[tilespmem:$0x19900] =	vst v63  }
0x14d: {  	p0 =	sne.s32 s28, $0x11  }
.Ltmp6:
0x14e: {  	_ = 	snop;
	(pc) =	sbr.rel @p0 .LBB2_2-.Ltmp6, $4  }
.Ltmp7:
0x14f: {  	s31 =	sadd.s32 s8, s29;
	(pc) =	sbr.rel @!p0 .LBB2_10-.Ltmp7, $4  }
0x150: {  	s0 =	sshrl.u32 s31, $0x3  }
0x151: {  	s0 =	sadd.s32 s3, s0  }
0x152: {  	[hbm4b:s0+s4] =	stream.linear.scatter [tilespmem:s25], [sflag:$0x6], $0x4000, $0x38;
	[tilespmem:$0x19900] =	vst v63  }
0x153: {  	_ = 	snop  }
.LBB2_11:
0x154: {  	_ =	sfence.sel $0x180000  }
0x155: {  	[bflag:$0x0] =	sbarrier.arrive $0xFFFF  }
0x156: {  	_ =	strace $0x90000047  }
0x157: {  	s0 =	stileid.u32;
	[bflag:$0x2] =	sbarrier.arrive $0xFFFF  }
0x158: {  	p0 =	sne.s32 s0, $0x0;
	s0 =	rddreg [dreg:$0x3]  }
0x159: {  	s0 =	sadd.s32 @!p0 $0x100000, s0  }
0x15a: {  	[sflag:s0] =	ssyncadd.tile.s32 @!p0 $0x1;
	_ =	shalt  }
.Lfunc_end2:
_tile_overlayer_lowered:
.L_overlay_start_2:
0x15b: {  	(tag) =	ssettag $0x2  }
0x15c: {  	s0 =	rddreg [dreg:$0x0];
	s2 =	stileid.u32  }
0x15d: {  	s1 =	rddreg [dreg:$0x1];
	p0 =	sne.s32 s2, $0x0  }
0x15e: {  	s3 =	rddreg [dreg:$0x2];
	[bflag:$0x3] =	sbarrier.arrive $0xFFFF;
	s2 =	simm.s32 @!p0 $0x1C07  }
0x15f: {  	[timem:s3], [sflag:s2] =	dma.local @!p0 [hbm:s0], s1  }
0x160: {  	s0 =	simm.s32 @!p0 $0x7  }
0x161: {  	_ =	swait.ge @!p0 [sflag:s0], s1  }
0x162: {  	s1 =	ssub.s32 @!p0 $0x0, s1;
	[sflag:s0] =	ssyncset.done @!p0 $0x0  }
0x163: {  	[sflag:s0] =	ssyncadd.s32 @!p0 s1  }
0x164: {  	[bflag:$0x3] =	sbarrier.arrive $0xFFFF  }
0x165: {  	_ =	shalt  }

</sc_bundles>
